<compile_context>
chip_gen: v7x
topology: tpu7x:2x2x1
jax: 0.10.2.dev20260603
libtpu: 0.0.44.dev20260713+nightly
codegen_flags: <defaults>
</compile_context>

<pallas_src>
import functools

import jax
import jax.numpy as jnp
from jax import lax
from jax.experimental import pallas as pl
from jax.experimental.pallas import tpu as pltpu
from jax.experimental.pallas import tpu_sc as plsc

B = 8
S = 64
VOCAB = 4
CONTEXT = 64
NBITS = 4
L = 16
NC, NS = 1, 16
NW = NC * NS
GROUPS = (B * S) // (NW * L)


def _rates_body(time_ref, w1_ref, b1_ref, w2_ref, b2_ref, n_ref):
    t = time_ref[...]
    h = jnp.maximum(t * w1_ref[...] + b1_ref[...], 0.0)
    z = lax.dot_general(h, w2_ref[...], (((1,), (1,)), ((), ())),
                        preferred_element_type=jnp.float32)
    z = z + b2_ref[...]
    sp = jnp.maximum(z, 0.0) + jnp.log1p(jnp.exp(-jnp.abs(z)))
    n_ref[...] = (sp * t + 1.0).astype(jnp.int32)


def _mm4(a, b):
    c = []
    for i in range(4):
        for j in range(4):
            s = a[4 * i] * b[j]
            for k in range(1, 4):
                s = s + a[4 * i + k] * b[4 * k + j]
            c.append(s)
    return c


def _evolve_group(base, n_v, seq_v, tbl_v, out_v, out_off):
    lanes = lax.iota(jnp.int32, L)
    t = base + lanes
    i = jnp.bitwise_and(t, S - 1)
    valid = i >= 3

    s1 = plsc.load_gather(seq_v, [jnp.maximum(t - 3, 0)])
    s2 = plsc.load_gather(seq_v, [jnp.maximum(t - 2, 0)])
    s3 = plsc.load_gather(seq_v, [jnp.maximum(t - 1, 0)])
    ctx = s1 * 16 + s2 * 4 + s3
    bidx = lax.shift_right_logical(t, jnp.int32(6))
    nn = plsc.load_gather(n_v, [bidx * CONTEXT + ctx])

    zb = ctx * 16
    z = [plsc.load_gather(tbl_v, [zb + e]) for e in range(16)]

    one = jnp.ones((L,), jnp.float32)
    zero = jnp.zeros((L,), jnp.float32)

    bit = jnp.bitwise_and(nn, 1) == 1
    rowb = zb + s3 * 4
    v = []
    for j in range(4):
        onehot = jnp.where(s3 == j, one, zero)
        zrow = plsc.load_gather(tbl_v, [rowb + j])
        v.append(jnp.where(bit, zrow, onehot))
    m = lax.shift_right_logical(nn, jnp.int32(1))
    for _ in range(1, NBITS):
        z = _mm4(z, z)
        bit = jnp.bitwise_and(m, 1) == 1
        vz = []
        for j in range(4):
            s = v[0] * z[j]
            for k in range(1, 4):
                s = s + v[k] * z[4 * k + j]
            vz.append(s)
        v = [jnp.where(bit, vz[j], v[j]) for j in range(4)]
        m = lax.shift_right_logical(m, jnp.int32(1))

    for j in range(4):
        acc = jnp.where(valid, v[j], zero)
        plsc.store_scatter(out_v, [out_off + lanes * 4 + j], acc)


def _sc_body(tbl_hbm, n_hbm, seq_hbm, out_hbm,
             tbl_v, n_v, seq_v, out_v, sem_t, sem_n, sem_s):
    wid = lax.axis_index("s") * NC + lax.axis_index("c")
    cp_t = pltpu.async_copy(tbl_hbm, tbl_v, sem_t)
    cp_n = pltpu.async_copy(n_hbm, n_v, sem_n)
    cp_s = pltpu.async_copy(seq_hbm, seq_v, sem_s)
    cp_s.wait()
    cp_n.wait()
    cp_t.wait()
    for g in range(GROUPS):
        _evolve_group(wid * (GROUPS * L) + g * L,
                      n_v, seq_v, tbl_v, out_v, g * L * 4)
    pltpu.sync_copy(out_v, out_hbm.at[pl.ds(wid * (GROUPS * L * 4),
                                            GROUPS * L * 4)])


def _build_sc_call(interpret=False):
    mesh = plsc.VectorSubcoreMesh(
        core_axis_name="c", subcore_axis_name="s",
        num_cores=NC, num_subcores=NS)
    return functools.partial(
        pl.kernel,
        out_type=jax.ShapeDtypeStruct((B * S * VOCAB,), jnp.float32),
        mesh=mesh,
        scratch_types=[
            pltpu.VMEM((CONTEXT * 16,), jnp.float32),
            pltpu.VMEM((B * CONTEXT,), jnp.int32),
            pltpu.VMEM((B * S,), jnp.int32),
            pltpu.VMEM((GROUPS * L * 4,), jnp.float32),
            pltpu.SemaphoreType.DMA,
            pltpu.SemaphoreType.DMA,
            pltpu.SemaphoreType.DMA,
        ],
        compiler_params=pltpu.CompilerParams(needs_layout_passes=False),
        interpret=interpret,
    )(_sc_body)


@jax.jit
def kernel(sequence, time, transition_matrices, W1, b1, W2, b2):
    seq32 = sequence.astype(jnp.int32).reshape(-1)
    n = pl.pallas_call(
        _rates_body,
        out_shape=jax.ShapeDtypeStruct((B, CONTEXT), jnp.int32),
    )(time.reshape(B, 1), W1.reshape(1, 32), b1.reshape(1, 32),
      W2, b2.reshape(1, CONTEXT))
    out_flat = _build_sc_call()(
        transition_matrices.reshape(-1), n.reshape(-1), seq32)
    return out_flat.reshape(B, S, VOCAB)

# --- scband reference (transcript-rebuilt; emitter-appended) ---
"""Pipeline reference for scband-markov-chain-evolution-model-74053826117693 (READ-ONLY COPY).

The authoritative reference and input builder live on the scoring server;
editing this copy changes nothing except your own understanding.
"""

import jax, jax.numpy as jnp
import numpy as np
jax.config.update('jax_enable_x64', True)

ORDER = 3
VOCAB = 4
CONTEXT = VOCAB ** ORDER  # 64


def setup_inputs(seed: int = 0) -> dict:
    key = jax.random.key(seed)
    k1, k2, k3, k4, k5, k6 = jax.random.split(key, 6)
    sequence = jax.random.randint(k1, (8, 64), 0, VOCAB, dtype=jnp.int64)
    time = jax.random.uniform(k2, (8,), dtype=jnp.float32)
    # transition matrices init: eye*0.7 + rand*0.1, row-softmax (per torch _initialize_transitions)
    eye = jnp.eye(VOCAB, dtype=jnp.float32)
    base = 0.7 * eye[None, :, :] + 0.1 * jax.random.uniform(k3, (CONTEXT, VOCAB, VOCAB), dtype=jnp.float32)
    transition_matrices = jax.nn.softmax(base, axis=-1)
    # rate_predictor: Linear(1,32) -> ReLU -> Linear(32,64) -> Softplus
    W1 = jax.random.uniform(k4, (32, 1), minval=-1.0, maxval=1.0, dtype=jnp.float32)
    b1 = jax.random.uniform(k5, (32,), minval=-1.0, maxval=1.0, dtype=jnp.float32)
    lim = 1.0 / np.sqrt(32.0)
    W2 = jax.random.uniform(k6, (CONTEXT, 32), minval=-lim, maxval=lim, dtype=jnp.float32)
    b2 = jnp.zeros((CONTEXT,), dtype=jnp.float32)
    return {"sequence": sequence, "time": time, "transition_matrices": transition_matrices,
            "W1": W1, "b1": b1, "W2": W2, "b2": b2}


def _matrix_power_traced(A, n):
    # Binary exponentiation matching jnp.linalg.matrix_power's square-and-multiply
    # order exactly (identity-seeded accumulator; I @ z == z bitwise in float).
    I = jnp.eye(A.shape[0], dtype=A.dtype)

    def body(_, carry):
        result, z, m = carry
        bit = (m & 1) == 1
        result = jnp.where(bit, result @ z, result)
        z = z @ z
        m = m >> 1
        return result, z, m

    result, _, _ = jax.lax.fori_loop(0, 63, body, (I, A, n))
    return result


def reference(sequence, time, transition_matrices, W1, b1, W2, b2):
    B, S = sequence.shape
    h = jax.nn.relu(time[:, None] @ W1.T + b1)
    rates = jax.nn.softplus(h @ W2.T + b2)  # (B, CONTEXT)
    evolved = jnp.zeros((B, S, VOCAB), dtype=jnp.float32)
    pow_vec = jnp.asarray(VOCAB ** np.arange(ORDER - 1, -1, -1), dtype=sequence.dtype)
    for i in range(ORDER, S):
        ctx = sequence[:, i - ORDER:i]
        ctx_idx = (ctx * pow_vec).sum(axis=1)
        for b in range(B):
            ci = ctx_idx[b]
            n = (rates[b, ci] * time[b] + 1).astype(jnp.int64)  # truncation as in torch
            M = _matrix_power_traced(transition_matrices[ci], n)
            cur = sequence[b, i - 1]
            evolved = evolved.at[b, i].set(M[cur])
    return evolved

if __name__ == "__main__":
    import jax
    _d = setup_inputs()
    print(jax.jit(kernel)(*tuple(_d.values())))

</pallas_src>

<mosaic_0001>
#map = affine_map<(d0, d1) -> (0)>
module attributes {stable_mosaic.version = 14 : i64} {
  func.func @_sc_body(%arg0: i32, %arg1: i32, %arg2: memref<1024xf32, #tpu.memory_space<hbm>>, %arg3: memref<512xi32, #tpu.memory_space<hbm>>, %arg4: memref<512xi32, #tpu.memory_space<hbm>>, %arg5: memref<2048xf32, #tpu.memory_space<hbm>>, %arg6: memref<1024xf32, #tpu.memory_space<vmem>>, %arg7: memref<512xi32, #tpu.memory_space<vmem>>, %arg8: memref<512xi32, #tpu.memory_space<vmem>>, %arg9: memref<128xf32, #tpu.memory_space<vmem>>, %arg10: memref<!tpu.dma_semaphore, #tpu.memory_space<semaphore_mem>>, %arg11: memref<!tpu.dma_semaphore, #tpu.memory_space<semaphore_mem>>, %arg12: memref<!tpu.dma_semaphore, #tpu.memory_space<semaphore_mem>>) attributes {dimension_semantics = [#tpu.dimension_semantics<core_parallel>, #tpu.dimension_semantics<subcore_parallel>], iteration_bounds = array<i64: 1, 16>, scalar_prefetch = 0 : i64, scratch_operands = 7 : i64, tpu.core_type = #tpu.core_type<sc_vector_subcore>, window_params = [{transform_indices = #map}, {transform_indices = #map}, {transform_indices = #map}, {transform_indices = #map}]} {
    %mul3A = arith.constant 1 : i32
    %mul3A_0 = arith.muli %arg1, %mul3A : i32
    %add3A = arith.addi %mul3A_0, %arg0 : i32
    tpu.enqueue_dma source(%arg2 : memref<1024xf32, #tpu.memory_space<hbm>>) target(%arg6 : memref<1024xf32, #tpu.memory_space<vmem>>) target_semaphore(%arg10 : memref<!tpu.dma_semaphore, #tpu.memory_space<semaphore_mem>>)
    tpu.enqueue_dma source(%arg3 : memref<512xi32, #tpu.memory_space<hbm>>) target(%arg7 : memref<512xi32, #tpu.memory_space<vmem>>) target_semaphore(%arg11 : memref<!tpu.dma_semaphore, #tpu.memory_space<semaphore_mem>>)
    tpu.enqueue_dma source(%arg4 : memref<512xi32, #tpu.memory_space<hbm>>) target(%arg8 : memref<512xi32, #tpu.memory_space<vmem>>) target_semaphore(%arg12 : memref<!tpu.dma_semaphore, #tpu.memory_space<semaphore_mem>>)
    tpu.wait_dma2 semaphore(%arg12 : memref<!tpu.dma_semaphore, #tpu.memory_space<semaphore_mem>>) src(%arg4 : memref<512xi32, #tpu.memory_space<hbm>>) dst(%arg8 : memref<512xi32, #tpu.memory_space<vmem>>)
    tpu.wait_dma2 semaphore(%arg11 : memref<!tpu.dma_semaphore, #tpu.memory_space<semaphore_mem>>) src(%arg3 : memref<512xi32, #tpu.memory_space<hbm>>) dst(%arg7 : memref<512xi32, #tpu.memory_space<vmem>>)
    tpu.wait_dma2 semaphore(%arg10 : memref<!tpu.dma_semaphore, #tpu.memory_space<semaphore_mem>>) src(%arg2 : memref<1024xf32, #tpu.memory_space<hbm>>) dst(%arg6 : memref<1024xf32, #tpu.memory_space<vmem>>)
    %mul3A_1 = arith.constant 32 : i32
    %mul3A_2 = arith.muli %add3A, %mul3A_1 : i32
    %add3A_3 = arith.constant 0 : i32
    %add3A_4 = arith.addi %mul3A_2, %add3A_3 : i32
    %iota3A = tpu.iota {dimensions = array<i32: 0>} : vector<16xi32>
    %add3A_5 = vector.broadcast %add3A_4 : i32 to vector<16xi32>
    %add3A_6 = arith.addi %add3A_5, %iota3A : vector<16xi32>
    %and3A = arith.constant 63 : i32
    %and3A_7 = vector.broadcast %and3A : i32 to vector<16xi32>
    %and3A_8 = arith.andi %add3A_6, %and3A_7 : vector<16xi32>
    %ge3A = arith.constant 3 : i32
    %ge3A_9 = vector.broadcast %ge3A : i32 to vector<16xi32>
    %ge3A_10 = arith.cmpi sge, %and3A_8, %ge3A_9 : vector<16xi32>
    %sub3A = arith.constant 3 : i32
    %sub3A_11 = vector.broadcast %sub3A : i32 to vector<16xi32>
    %sub3A_12 = arith.subi %add3A_6, %sub3A_11 : vector<16xi32>
    %max3A = arith.constant 0 : i32
    %max3A_13 = vector.broadcast %max3A : i32 to vector<16xi32>
    %max3A_14 = arith.maxsi %sub3A_12, %max3A_13 : vector<16xi32>
    %gather3A = tpu.vector_load_idx %arg8[%max3A_14] : memref<512xi32, #tpu.memory_space<vmem>>[vector<16xi32>], vector<16xi32>,
    %sub3A_15 = arith.constant 2 : i32
    %sub3A_16 = vector.broadcast %sub3A_15 : i32 to vector<16xi32>
    %sub3A_17 = arith.subi %add3A_6, %sub3A_16 : vector<16xi32>
    %max3A_18 = arith.constant 0 : i32
    %max3A_19 = vector.broadcast %max3A_18 : i32 to vector<16xi32>
    %max3A_20 = arith.maxsi %sub3A_17, %max3A_19 : vector<16xi32>
    %gather3A_21 = tpu.vector_load_idx %arg8[%max3A_20] : memref<512xi32, #tpu.memory_space<vmem>>[vector<16xi32>], vector<16xi32>,
    %sub3A_22 = arith.constant 1 : i32
    %sub3A_23 = vector.broadcast %sub3A_22 : i32 to vector<16xi32>
    %sub3A_24 = arith.subi %add3A_6, %sub3A_23 : vector<16xi32>
    %max3A_25 = arith.constant 0 : i32
    %max3A_26 = vector.broadcast %max3A_25 : i32 to vector<16xi32>
    %max3A_27 = arith.maxsi %sub3A_24, %max3A_26 : vector<16xi32>
    %gather3A_28 = tpu.vector_load_idx %arg8[%max3A_27] : memref<512xi32, #tpu.memory_space<vmem>>[vector<16xi32>], vector<16xi32>,
    %mul3A_29 = arith.constant 16 : i32
    %mul3A_30 = vector.broadcast %mul3A_29 : i32 to vector<16xi32>
    %mul3A_31 = arith.muli %gather3A, %mul3A_30 : vector<16xi32>
    %mul3A_32 = arith.constant 4 : i32
    %mul3A_33 = vector.broadcast %mul3A_32 : i32 to vector<16xi32>
    %mul3A_34 = arith.muli %gather3A_21, %mul3A_33 : vector<16xi32>
    %add3A_35 = arith.addi %mul3A_31, %mul3A_34 : vector<16xi32>
    %add3A_36 = arith.addi %add3A_35, %gather3A_28 : vector<16xi32>
    %shift_right_logical3A = arith.constant 6 : i32
    %shift_right_logical3A_37 = vector.broadcast %shift_right_logical3A : i32 to vector<16xi32>
    %shift_right_logical3A_38 = arith.shrui %add3A_6, %shift_right_logical3A_37 : vector<16xi32>
    %mul3A_39 = arith.constant 64 : i32
    %mul3A_40 = vector.broadcast %mul3A_39 : i32 to vector<16xi32>
    %mul3A_41 = arith.muli %shift_right_logical3A_38, %mul3A_40 : vector<16xi32>
    %add3A_42 = arith.addi %mul3A_41, %add3A_36 : vector<16xi32>
    %gather3A_43 = tpu.vector_load_idx %arg7[%add3A_42] : memref<512xi32, #tpu.memory_space<vmem>>[vector<16xi32>], vector<16xi32>,
    %mul3A_44 = arith.constant 16 : i32
    %mul3A_45 = vector.broadcast %mul3A_44 : i32 to vector<16xi32>
    %mul3A_46 = arith.muli %add3A_36, %mul3A_45 : vector<16xi32>
    %add3A_47 = arith.constant 0 : i32
    %add3A_48 = vector.broadcast %add3A_47 : i32 to vector<16xi32>
    %add3A_49 = arith.addi %mul3A_46, %add3A_48 : vector<16xi32>
    %gather3A_50 = tpu.vector_load_idx %arg6[%add3A_49] : memref<1024xf32, #tpu.memory_space<vmem>>[vector<16xi32>], vector<16xf32>,
    %add3A_51 = arith.constant 1 : i32
    %add3A_52 = vector.broadcast %add3A_51 : i32 to vector<16xi32>
    %add3A_53 = arith.addi %mul3A_46, %add3A_52 : vector<16xi32>
    %gather3A_54 = tpu.vector_load_idx %arg6[%add3A_53] : memref<1024xf32, #tpu.memory_space<vmem>>[vector<16xi32>], vector<16xf32>,
    %add3A_55 = arith.constant 2 : i32
    %add3A_56 = vector.broadcast %add3A_55 : i32 to vector<16xi32>
    %add3A_57 = arith.addi %mul3A_46, %add3A_56 : vector<16xi32>
    %gather3A_58 = tpu.vector_load_idx %arg6[%add3A_57] : memref<1024xf32, #tpu.memory_space<vmem>>[vector<16xi32>], vector<16xf32>,
    %add3A_59 = arith.constant 3 : i32
    %add3A_60 = vector.broadcast %add3A_59 : i32 to vector<16xi32>
    %add3A_61 = arith.addi %mul3A_46, %add3A_60 : vector<16xi32>
    %gather3A_62 = tpu.vector_load_idx %arg6[%add3A_61] : memref<1024xf32, #tpu.memory_space<vmem>>[vector<16xi32>], vector<16xf32>,
    %add3A_63 = arith.constant 4 : i32
    %add3A_64 = vector.broadcast %add3A_63 : i32 to vector<16xi32>
    %add3A_65 = arith.addi %mul3A_46, %add3A_64 : vector<16xi32>
    %gather3A_66 = tpu.vector_load_idx %arg6[%add3A_65] : memref<1024xf32, #tpu.memory_space<vmem>>[vector<16xi32>], vector<16xf32>,
    %add3A_67 = arith.constant 5 : i32
    %add3A_68 = vector.broadcast %add3A_67 : i32 to vector<16xi32>
    %add3A_69 = arith.addi %mul3A_46, %add3A_68 : vector<16xi32>
    %gather3A_70 = tpu.vector_load_idx %arg6[%add3A_69] : memref<1024xf32, #tpu.memory_space<vmem>>[vector<16xi32>], vector<16xf32>,
    %add3A_71 = arith.constant 6 : i32
    %add3A_72 = vector.broadcast %add3A_71 : i32 to vector<16xi32>
    %add3A_73 = arith.addi %mul3A_46, %add3A_72 : vector<16xi32>
    %gather3A_74 = tpu.vector_load_idx %arg6[%add3A_73] : memref<1024xf32, #tpu.memory_space<vmem>>[vector<16xi32>], vector<16xf32>,
    %add3A_75 = arith.constant 7 : i32
    %add3A_76 = vector.broadcast %add3A_75 : i32 to vector<16xi32>
    %add3A_77 = arith.addi %mul3A_46, %add3A_76 : vector<16xi32>
    %gather3A_78 = tpu.vector_load_idx %arg6[%add3A_77] : memref<1024xf32, #tpu.memory_space<vmem>>[vector<16xi32>], vector<16xf32>,
    %add3A_79 = arith.constant 8 : i32
    %add3A_80 = vector.broadcast %add3A_79 : i32 to vector<16xi32>
    %add3A_81 = arith.addi %mul3A_46, %add3A_80 : vector<16xi32>
    %gather3A_82 = tpu.vector_load_idx %arg6[%add3A_81] : memref<1024xf32, #tpu.memory_space<vmem>>[vector<16xi32>], vector<16xf32>,
    %add3A_83 = arith.constant 9 : i32
    %add3A_84 = vector.broadcast %add3A_83 : i32 to vector<16xi32>
    %add3A_85 = arith.addi %mul3A_46, %add3A_84 : vector<16xi32>
    %gather3A_86 = tpu.vector_load_idx %arg6[%add3A_85] : memref<1024xf32, #tpu.memory_space<vmem>>[vector<16xi32>], vector<16xf32>,
    %add3A_87 = arith.constant 10 : i32
    %add3A_88 = vector.broadcast %add3A_87 : i32 to vector<16xi32>
    %add3A_89 = arith.addi %mul3A_46, %add3A_88 : vector<16xi32>
    %gather3A_90 = tpu.vector_load_idx %arg6[%add3A_89] : memref<1024xf32, #tpu.memory_space<vmem>>[vector<16xi32>], vector<16xf32>,
    %add3A_91 = arith.constant 11 : i32
    %add3A_92 = vector.broadcast %add3A_91 : i32 to vector<16xi32>
    %add3A_93 = arith.addi %mul3A_46, %add3A_92 : vector<16xi32>
    %gather3A_94 = tpu.vector_load_idx %arg6[%add3A_93] : memref<1024xf32, #tpu.memory_space<vmem>>[vector<16xi32>], vector<16xf32>,
    %add3A_95 = arith.constant 12 : i32
    %add3A_96 = vector.broadcast %add3A_95 : i32 to vector<16xi32>
    %add3A_97 = arith.addi %mul3A_46, %add3A_96 : vector<16xi32>
    %gather3A_98 = tpu.vector_load_idx %arg6[%add3A_97] : memref<1024xf32, #tpu.memory_space<vmem>>[vector<16xi32>], vector<16xf32>,
    %add3A_99 = arith.constant 13 : i32
    %add3A_100 = vector.broadcast %add3A_99 : i32 to vector<16xi32>
    %add3A_101 = arith.addi %mul3A_46, %add3A_100 : vector<16xi32>
    %gather3A_102 = tpu.vector_load_idx %arg6[%add3A_101] : memref<1024xf32, #tpu.memory_space<vmem>>[vector<16xi32>], vector<16xf32>,
    %add3A_103 = arith.constant 14 : i32
    %add3A_104 = vector.broadcast %add3A_103 : i32 to vector<16xi32>
    %add3A_105 = arith.addi %mul3A_46, %add3A_104 : vector<16xi32>
    %gather3A_106 = tpu.vector_load_idx %arg6[%add3A_105] : memref<1024xf32, #tpu.memory_space<vmem>>[vector<16xi32>], vector<16xf32>,
    %add3A_107 = arith.constant 15 : i32
    %add3A_108 = vector.broadcast %add3A_107 : i32 to vector<16xi32>
    %add3A_109 = arith.addi %mul3A_46, %add3A_108 : vector<16xi32>
    %gather3A_110 = tpu.vector_load_idx %arg6[%add3A_109] : memref<1024xf32, #tpu.memory_space<vmem>>[vector<16xi32>], vector<16xf32>,
    %broadcast_in_dim3A = arith.constant 1.000000e+00 : f32
    %broadcast_in_dim3A_111 = vector.broadcast %broadcast_in_dim3A : f32 to vector<16xf32>
    %broadcast_in_dim3A_112 = arith.constant 0.000000e+00 : f32
    %broadcast_in_dim3A_113 = vector.broadcast %broadcast_in_dim3A_112 : f32 to vector<16xf32>
    %and3A_114 = arith.constant 1 : i32
    %and3A_115 = vector.broadcast %and3A_114 : i32 to vector<16xi32>
    %and3A_116 = arith.andi %gather3A_43, %and3A_115 : vector<16xi32>
    %eq3A = arith.constant 1 : i32
    %eq3A_117 = vector.broadcast %eq3A : i32 to vector<16xi32>
    %eq3A_118 = arith.cmpi eq, %and3A_116, %eq3A_117 : vector<16xi32>
    %mul3A_119 = arith.constant 4 : i32
    %mul3A_120 = vector.broadcast %mul3A_119 : i32 to vector<16xi32>
    %mul3A_121 = arith.muli %gather3A_28, %mul3A_120 : vector<16xi32>
    %add3A_122 = arith.addi %mul3A_46, %mul3A_121 : vector<16xi32>
    %eq3A_123 = arith.constant 0 : i32
    %eq3A_124 = vector.broadcast %eq3A_123 : i32 to vector<16xi32>
    %eq3A_125 = arith.cmpi eq, %gather3A_28, %eq3A_124 : vector<16xi32>
    %select_n3A = arith.select %eq3A_125, %broadcast_in_dim3A_111, %broadcast_in_dim3A_113 : vector<16xi1>, vector<16xf32>
    %add3A_126 = arith.constant 0 : i32
    %add3A_127 = vector.broadcast %add3A_126 : i32 to vector<16xi32>
    %add3A_128 = arith.addi %add3A_122, %add3A_127 : vector<16xi32>
    %gather3A_129 = tpu.vector_load_idx %arg6[%add3A_128] : memref<1024xf32, #tpu.memory_space<vmem>>[vector<16xi32>], vector<16xf32>,
    %select_n3A_130 = arith.select %eq3A_118, %gather3A_129, %select_n3A : vector<16xi1>, vector<16xf32>
    %eq3A_131 = arith.constant 1 : i32
    %eq3A_132 = vector.broadcast %eq3A_131 : i32 to vector<16xi32>
    %eq3A_133 = arith.cmpi eq, %gather3A_28, %eq3A_132 : vector<16xi32>
    %select_n3A_134 = arith.select %eq3A_133, %broadcast_in_dim3A_111, %broadcast_in_dim3A_113 : vector<16xi1>, vector<16xf32>
    %add3A_135 = arith.constant 1 : i32
    %add3A_136 = vector.broadcast %add3A_135 : i32 to vector<16xi32>
    %add3A_137 = arith.addi %add3A_122, %add3A_136 : vector<16xi32>
    %gather3A_138 = tpu.vector_load_idx %arg6[%add3A_137] : memref<1024xf32, #tpu.memory_space<vmem>>[vector<16xi32>], vector<16xf32>,
    %select_n3A_139 = arith.select %eq3A_118, %gather3A_138, %select_n3A_134 : vector<16xi1>, vector<16xf32>
    %eq3A_140 = arith.constant 2 : i32
    %eq3A_141 = vector.broadcast %eq3A_140 : i32 to vector<16xi32>
    %eq3A_142 = arith.cmpi eq, %gather3A_28, %eq3A_141 : vector<16xi32>
    %select_n3A_143 = arith.select %eq3A_142, %broadcast_in_dim3A_111, %broadcast_in_dim3A_113 : vector<16xi1>, vector<16xf32>
    %add3A_144 = arith.constant 2 : i32
    %add3A_145 = vector.broadcast %add3A_144 : i32 to vector<16xi32>
    %add3A_146 = arith.addi %add3A_122, %add3A_145 : vector<16xi32>
    %gather3A_147 = tpu.vector_load_idx %arg6[%add3A_146] : memref<1024xf32, #tpu.memory_space<vmem>>[vector<16xi32>], vector<16xf32>,
    %select_n3A_148 = arith.select %eq3A_118, %gather3A_147, %select_n3A_143 : vector<16xi1>, vector<16xf32>
    %eq3A_149 = arith.constant 3 : i32
    %eq3A_150 = vector.broadcast %eq3A_149 : i32 to vector<16xi32>
    %eq3A_151 = arith.cmpi eq, %gather3A_28, %eq3A_150 : vector<16xi32>
    %select_n3A_152 = arith.select %eq3A_151, %broadcast_in_dim3A_111, %broadcast_in_dim3A_113 : vector<16xi1>, vector<16xf32>
    %add3A_153 = arith.constant 3 : i32
    %add3A_154 = vector.broadcast %add3A_153 : i32 to vector<16xi32>
    %add3A_155 = arith.addi %add3A_122, %add3A_154 : vector<16xi32>
    %gather3A_156 = tpu.vector_load_idx %arg6[%add3A_155] : memref<1024xf32, #tpu.memory_space<vmem>>[vector<16xi32>], vector<16xf32>,
    %select_n3A_157 = arith.select %eq3A_118, %gather3A_156, %select_n3A_152 : vector<16xi1>, vector<16xf32>
    %shift_right_logical3A_158 = arith.constant 1 : i32
    %shift_right_logical3A_159 = vector.broadcast %shift_right_logical3A_158 : i32 to vector<16xi32>
    %shift_right_logical3A_160 = arith.shrui %gather3A_43, %shift_right_logical3A_159 : vector<16xi32>
    %mul3A_161 = arith.mulf %gather3A_50, %gather3A_50 : vector<16xf32>
    %mul3A_162 = arith.mulf %gather3A_54, %gather3A_66 : vector<16xf32>
    %add3A_163 = arith.addf %mul3A_161, %mul3A_162 : vector<16xf32>
    %mul3A_164 = arith.mulf %gather3A_58, %gather3A_82 : vector<16xf32>
    %add3A_165 = arith.addf %add3A_163, %mul3A_164 : vector<16xf32>
    %mul3A_166 = arith.mulf %gather3A_62, %gather3A_98 : vector<16xf32>
    %add3A_167 = arith.addf %add3A_165, %mul3A_166 : vector<16xf32>
    %mul3A_168 = arith.mulf %gather3A_50, %gather3A_54 : vector<16xf32>
    %mul3A_169 = arith.mulf %gather3A_54, %gather3A_70 : vector<16xf32>
    %add3A_170 = arith.addf %mul3A_168, %mul3A_169 : vector<16xf32>
    %mul3A_171 = arith.mulf %gather3A_58, %gather3A_86 : vector<16xf32>
    %add3A_172 = arith.addf %add3A_170, %mul3A_171 : vector<16xf32>
    %mul3A_173 = arith.mulf %gather3A_62, %gather3A_102 : vector<16xf32>
    %add3A_174 = arith.addf %add3A_172, %mul3A_173 : vector<16xf32>
    %mul3A_175 = arith.mulf %gather3A_50, %gather3A_58 : vector<16xf32>
    %mul3A_176 = arith.mulf %gather3A_54, %gather3A_74 : vector<16xf32>
    %add3A_177 = arith.addf %mul3A_175, %mul3A_176 : vector<16xf32>
    %mul3A_178 = arith.mulf %gather3A_58, %gather3A_90 : vector<16xf32>
    %add3A_179 = arith.addf %add3A_177, %mul3A_178 : vector<16xf32>
    %mul3A_180 = arith.mulf %gather3A_62, %gather3A_106 : vector<16xf32>
    %add3A_181 = arith.addf %add3A_179, %mul3A_180 : vector<16xf32>
    %mul3A_182 = arith.mulf %gather3A_50, %gather3A_62 : vector<16xf32>
    %mul3A_183 = arith.mulf %gather3A_54, %gather3A_78 : vector<16xf32>
    %add3A_184 = arith.addf %mul3A_182, %mul3A_183 : vector<16xf32>
    %mul3A_185 = arith.mulf %gather3A_58, %gather3A_94 : vector<16xf32>
    %add3A_186 = arith.addf %add3A_184, %mul3A_185 : vector<16xf32>
    %mul3A_187 = arith.mulf %gather3A_62, %gather3A_110 : vector<16xf32>
    %add3A_188 = arith.addf %add3A_186, %mul3A_187 : vector<16xf32>
    %mul3A_189 = arith.mulf %gather3A_66, %gather3A_50 : vector<16xf32>
    %mul3A_190 = arith.mulf %gather3A_70, %gather3A_66 : vector<16xf32>
    %add3A_191 = arith.addf %mul3A_189, %mul3A_190 : vector<16xf32>
    %mul3A_192 = arith.mulf %gather3A_74, %gather3A_82 : vector<16xf32>
    %add3A_193 = arith.addf %add3A_191, %mul3A_192 : vector<16xf32>
    %mul3A_194 = arith.mulf %gather3A_78, %gather3A_98 : vector<16xf32>
    %add3A_195 = arith.addf %add3A_193, %mul3A_194 : vector<16xf32>
    %mul3A_196 = arith.mulf %gather3A_66, %gather3A_54 : vector<16xf32>
    %mul3A_197 = arith.mulf %gather3A_70, %gather3A_70 : vector<16xf32>
    %add3A_198 = arith.addf %mul3A_196, %mul3A_197 : vector<16xf32>
    %mul3A_199 = arith.mulf %gather3A_74, %gather3A_86 : vector<16xf32>
    %add3A_200 = arith.addf %add3A_198, %mul3A_199 : vector<16xf32>
    %mul3A_201 = arith.mulf %gather3A_78, %gather3A_102 : vector<16xf32>
    %add3A_202 = arith.addf %add3A_200, %mul3A_201 : vector<16xf32>
    %mul3A_203 = arith.mulf %gather3A_66, %gather3A_58 : vector<16xf32>
    %mul3A_204 = arith.mulf %gather3A_70, %gather3A_74 : vector<16xf32>
    %add3A_205 = arith.addf %mul3A_203, %mul3A_204 : vector<16xf32>
    %mul3A_206 = arith.mulf %gather3A_74, %gather3A_90 : vector<16xf32>
    %add3A_207 = arith.addf %add3A_205, %mul3A_206 : vector<16xf32>
    %mul3A_208 = arith.mulf %gather3A_78, %gather3A_106 : vector<16xf32>
    %add3A_209 = arith.addf %add3A_207, %mul3A_208 : vector<16xf32>
    %mul3A_210 = arith.mulf %gather3A_66, %gather3A_62 : vector<16xf32>
    %mul3A_211 = arith.mulf %gather3A_70, %gather3A_78 : vector<16xf32>
    %add3A_212 = arith.addf %mul3A_210, %mul3A_211 : vector<16xf32>
    %mul3A_213 = arith.mulf %gather3A_74, %gather3A_94 : vector<16xf32>
    %add3A_214 = arith.addf %add3A_212, %mul3A_213 : vector<16xf32>
    %mul3A_215 = arith.mulf %gather3A_78, %gather3A_110 : vector<16xf32>
    %add3A_216 = arith.addf %add3A_214, %mul3A_215 : vector<16xf32>
    %mul3A_217 = arith.mulf %gather3A_82, %gather3A_50 : vector<16xf32>
    %mul3A_218 = arith.mulf %gather3A_86, %gather3A_66 : vector<16xf32>
    %add3A_219 = arith.addf %mul3A_217, %mul3A_218 : vector<16xf32>
    %mul3A_220 = arith.mulf %gather3A_90, %gather3A_82 : vector<16xf32>
    %add3A_221 = arith.addf %add3A_219, %mul3A_220 : vector<16xf32>
    %mul3A_222 = arith.mulf %gather3A_94, %gather3A_98 : vector<16xf32>
    %add3A_223 = arith.addf %add3A_221, %mul3A_222 : vector<16xf32>
    %mul3A_224 = arith.mulf %gather3A_82, %gather3A_54 : vector<16xf32>
    %mul3A_225 = arith.mulf %gather3A_86, %gather3A_70 : vector<16xf32>
    %add3A_226 = arith.addf %mul3A_224, %mul3A_225 : vector<16xf32>
    %mul3A_227 = arith.mulf %gather3A_90, %gather3A_86 : vector<16xf32>
    %add3A_228 = arith.addf %add3A_226, %mul3A_227 : vector<16xf32>
    %mul3A_229 = arith.mulf %gather3A_94, %gather3A_102 : vector<16xf32>
    %add3A_230 = arith.addf %add3A_228, %mul3A_229 : vector<16xf32>
    %mul3A_231 = arith.mulf %gather3A_82, %gather3A_58 : vector<16xf32>
    %mul3A_232 = arith.mulf %gather3A_86, %gather3A_74 : vector<16xf32>
    %add3A_233 = arith.addf %mul3A_231, %mul3A_232 : vector<16xf32>
    %mul3A_234 = arith.mulf %gather3A_90, %gather3A_90 : vector<16xf32>
    %add3A_235 = arith.addf %add3A_233, %mul3A_234 : vector<16xf32>
    %mul3A_236 = arith.mulf %gather3A_94, %gather3A_106 : vector<16xf32>
    %add3A_237 = arith.addf %add3A_235, %mul3A_236 : vector<16xf32>
    %mul3A_238 = arith.mulf %gather3A_82, %gather3A_62 : vector<16xf32>
    %mul3A_239 = arith.mulf %gather3A_86, %gather3A_78 : vector<16xf32>
    %add3A_240 = arith.addf %mul3A_238, %mul3A_239 : vector<16xf32>
    %mul3A_241 = arith.mulf %gather3A_90, %gather3A_94 : vector<16xf32>
    %add3A_242 = arith.addf %add3A_240, %mul3A_241 : vector<16xf32>
    %mul3A_243 = arith.mulf %gather3A_94, %gather3A_110 : vector<16xf32>
    %add3A_244 = arith.addf %add3A_242, %mul3A_243 : vector<16xf32>
    %mul3A_245 = arith.mulf %gather3A_98, %gather3A_50 : vector<16xf32>
    %mul3A_246 = arith.mulf %gather3A_102, %gather3A_66 : vector<16xf32>
    %add3A_247 = arith.addf %mul3A_245, %mul3A_246 : vector<16xf32>
    %mul3A_248 = arith.mulf %gather3A_106, %gather3A_82 : vector<16xf32>
    %add3A_249 = arith.addf %add3A_247, %mul3A_248 : vector<16xf32>
    %mul3A_250 = arith.mulf %gather3A_110, %gather3A_98 : vector<16xf32>
    %add3A_251 = arith.addf %add3A_249, %mul3A_250 : vector<16xf32>
    %mul3A_252 = arith.mulf %gather3A_98, %gather3A_54 : vector<16xf32>
    %mul3A_253 = arith.mulf %gather3A_102, %gather3A_70 : vector<16xf32>
    %add3A_254 = arith.addf %mul3A_252, %mul3A_253 : vector<16xf32>
    %mul3A_255 = arith.mulf %gather3A_106, %gather3A_86 : vector<16xf32>
    %add3A_256 = arith.addf %add3A_254, %mul3A_255 : vector<16xf32>
    %mul3A_257 = arith.mulf %gather3A_110, %gather3A_102 : vector<16xf32>
    %add3A_258 = arith.addf %add3A_256, %mul3A_257 : vector<16xf32>
    %mul3A_259 = arith.mulf %gather3A_98, %gather3A_58 : vector<16xf32>
    %mul3A_260 = arith.mulf %gather3A_102, %gather3A_74 : vector<16xf32>
    %add3A_261 = arith.addf %mul3A_259, %mul3A_260 : vector<16xf32>
    %mul3A_262 = arith.mulf %gather3A_106, %gather3A_90 : vector<16xf32>
    %add3A_263 = arith.addf %add3A_261, %mul3A_262 : vector<16xf32>
    %mul3A_264 = arith.mulf %gather3A_110, %gather3A_106 : vector<16xf32>
    %add3A_265 = arith.addf %add3A_263, %mul3A_264 : vector<16xf32>
    %mul3A_266 = arith.mulf %gather3A_98, %gather3A_62 : vector<16xf32>
    %mul3A_267 = arith.mulf %gather3A_102, %gather3A_78 : vector<16xf32>
    %add3A_268 = arith.addf %mul3A_266, %mul3A_267 : vector<16xf32>
    %mul3A_269 = arith.mulf %gather3A_106, %gather3A_94 : vector<16xf32>
    %add3A_270 = arith.addf %add3A_268, %mul3A_269 : vector<16xf32>
    %mul3A_271 = arith.mulf %gather3A_110, %gather3A_110 : vector<16xf32>
    %add3A_272 = arith.addf %add3A_270, %mul3A_271 : vector<16xf32>
    %and3A_273 = arith.constant 1 : i32
    %and3A_274 = vector.broadcast %and3A_273 : i32 to vector<16xi32>
    %and3A_275 = arith.andi %shift_right_logical3A_160, %and3A_274 : vector<16xi32>
    %eq3A_276 = arith.constant 1 : i32
    %eq3A_277 = vector.broadcast %eq3A_276 : i32 to vector<16xi32>
    %eq3A_278 = arith.cmpi eq, %and3A_275, %eq3A_277 : vector<16xi32>
    %mul3A_279 = arith.mulf %select_n3A_130, %add3A_167 : vector<16xf32>
    %mul3A_280 = arith.mulf %select_n3A_139, %add3A_195 : vector<16xf32>
    %add3A_281 = arith.addf %mul3A_279, %mul3A_280 : vector<16xf32>
    %mul3A_282 = arith.mulf %select_n3A_148, %add3A_223 : vector<16xf32>
    %add3A_283 = arith.addf %add3A_281, %mul3A_282 : vector<16xf32>
    %mul3A_284 = arith.mulf %select_n3A_157, %add3A_251 : vector<16xf32>
    %add3A_285 = arith.addf %add3A_283, %mul3A_284 : vector<16xf32>
    %mul3A_286 = arith.mulf %select_n3A_130, %add3A_174 : vector<16xf32>
    %mul3A_287 = arith.mulf %select_n3A_139, %add3A_202 : vector<16xf32>
    %add3A_288 = arith.addf %mul3A_286, %mul3A_287 : vector<16xf32>
    %mul3A_289 = arith.mulf %select_n3A_148, %add3A_230 : vector<16xf32>
    %add3A_290 = arith.addf %add3A_288, %mul3A_289 : vector<16xf32>
    %mul3A_291 = arith.mulf %select_n3A_157, %add3A_258 : vector<16xf32>
    %add3A_292 = arith.addf %add3A_290, %mul3A_291 : vector<16xf32>
    %mul3A_293 = arith.mulf %select_n3A_130, %add3A_181 : vector<16xf32>
    %mul3A_294 = arith.mulf %select_n3A_139, %add3A_209 : vector<16xf32>
    %add3A_295 = arith.addf %mul3A_293, %mul3A_294 : vector<16xf32>
    %mul3A_296 = arith.mulf %select_n3A_148, %add3A_237 : vector<16xf32>
    %add3A_297 = arith.addf %add3A_295, %mul3A_296 : vector<16xf32>
    %mul3A_298 = arith.mulf %select_n3A_157, %add3A_265 : vector<16xf32>
    %add3A_299 = arith.addf %add3A_297, %mul3A_298 : vector<16xf32>
    %mul3A_300 = arith.mulf %select_n3A_130, %add3A_188 : vector<16xf32>
    %mul3A_301 = arith.mulf %select_n3A_139, %add3A_216 : vector<16xf32>
    %add3A_302 = arith.addf %mul3A_300, %mul3A_301 : vector<16xf32>
    %mul3A_303 = arith.mulf %select_n3A_148, %add3A_244 : vector<16xf32>
    %add3A_304 = arith.addf %add3A_302, %mul3A_303 : vector<16xf32>
    %mul3A_305 = arith.mulf %select_n3A_157, %add3A_272 : vector<16xf32>
    %add3A_306 = arith.addf %add3A_304, %mul3A_305 : vector<16xf32>
    %select_n3A_307 = arith.select %eq3A_278, %add3A_285, %select_n3A_130 : vector<16xi1>, vector<16xf32>
    %select_n3A_308 = arith.select %eq3A_278, %add3A_292, %select_n3A_139 : vector<16xi1>, vector<16xf32>
    %select_n3A_309 = arith.select %eq3A_278, %add3A_299, %select_n3A_148 : vector<16xi1>, vector<16xf32>
    %select_n3A_310 = arith.select %eq3A_278, %add3A_306, %select_n3A_157 : vector<16xi1>, vector<16xf32>
    %shift_right_logical3A_311 = arith.constant 1 : i32
    %shift_right_logical3A_312 = vector.broadcast %shift_right_logical3A_311 : i32 to vector<16xi32>
    %shift_right_logical3A_313 = arith.shrui %shift_right_logical3A_160, %shift_right_logical3A_312 : vector<16xi32>
    %mul3A_314 = arith.mulf %add3A_167, %add3A_167 : vector<16xf32>
    %mul3A_315 = arith.mulf %add3A_174, %add3A_195 : vector<16xf32>
    %add3A_316 = arith.addf %mul3A_314, %mul3A_315 : vector<16xf32>
    %mul3A_317 = arith.mulf %add3A_181, %add3A_223 : vector<16xf32>
    %add3A_318 = arith.addf %add3A_316, %mul3A_317 : vector<16xf32>
    %mul3A_319 = arith.mulf %add3A_188, %add3A_251 : vector<16xf32>
    %add3A_320 = arith.addf %add3A_318, %mul3A_319 : vector<16xf32>
    %mul3A_321 = arith.mulf %add3A_167, %add3A_174 : vector<16xf32>
    %mul3A_322 = arith.mulf %add3A_174, %add3A_202 : vector<16xf32>
    %add3A_323 = arith.addf %mul3A_321, %mul3A_322 : vector<16xf32>
    %mul3A_324 = arith.mulf %add3A_181, %add3A_230 : vector<16xf32>
    %add3A_325 = arith.addf %add3A_323, %mul3A_324 : vector<16xf32>
    %mul3A_326 = arith.mulf %add3A_188, %add3A_258 : vector<16xf32>
    %add3A_327 = arith.addf %add3A_325, %mul3A_326 : vector<16xf32>
    %mul3A_328 = arith.mulf %add3A_167, %add3A_181 : vector<16xf32>
    %mul3A_329 = arith.mulf %add3A_174, %add3A_209 : vector<16xf32>
    %add3A_330 = arith.addf %mul3A_328, %mul3A_329 : vector<16xf32>
    %mul3A_331 = arith.mulf %add3A_181, %add3A_237 : vector<16xf32>
    %add3A_332 = arith.addf %add3A_330, %mul3A_331 : vector<16xf32>
    %mul3A_333 = arith.mulf %add3A_188, %add3A_265 : vector<16xf32>
    %add3A_334 = arith.addf %add3A_332, %mul3A_333 : vector<16xf32>
    %mul3A_335 = arith.mulf %add3A_167, %add3A_188 : vector<16xf32>
    %mul3A_336 = arith.mulf %add3A_174, %add3A_216 : vector<16xf32>
    %add3A_337 = arith.addf %mul3A_335, %mul3A_336 : vector<16xf32>
    %mul3A_338 = arith.mulf %add3A_181, %add3A_244 : vector<16xf32>
    %add3A_339 = arith.addf %add3A_337, %mul3A_338 : vector<16xf32>
    %mul3A_340 = arith.mulf %add3A_188, %add3A_272 : vector<16xf32>
    %add3A_341 = arith.addf %add3A_339, %mul3A_340 : vector<16xf32>
    %mul3A_342 = arith.mulf %add3A_195, %add3A_167 : vector<16xf32>
    %mul3A_343 = arith.mulf %add3A_202, %add3A_195 : vector<16xf32>
    %add3A_344 = arith.addf %mul3A_342, %mul3A_343 : vector<16xf32>
    %mul3A_345 = arith.mulf %add3A_209, %add3A_223 : vector<16xf32>
    %add3A_346 = arith.addf %add3A_344, %mul3A_345 : vector<16xf32>
    %mul3A_347 = arith.mulf %add3A_216, %add3A_251 : vector<16xf32>
    %add3A_348 = arith.addf %add3A_346, %mul3A_347 : vector<16xf32>
    %mul3A_349 = arith.mulf %add3A_195, %add3A_174 : vector<16xf32>
    %mul3A_350 = arith.mulf %add3A_202, %add3A_202 : vector<16xf32>
    %add3A_351 = arith.addf %mul3A_349, %mul3A_350 : vector<16xf32>
    %mul3A_352 = arith.mulf %add3A_209, %add3A_230 : vector<16xf32>
    %add3A_353 = arith.addf %add3A_351, %mul3A_352 : vector<16xf32>
    %mul3A_354 = arith.mulf %add3A_216, %add3A_258 : vector<16xf32>
    %add3A_355 = arith.addf %add3A_353, %mul3A_354 : vector<16xf32>
    %mul3A_356 = arith.mulf %add3A_195, %add3A_181 : vector<16xf32>
    %mul3A_357 = arith.mulf %add3A_202, %add3A_209 : vector<16xf32>
    %add3A_358 = arith.addf %mul3A_356, %mul3A_357 : vector<16xf32>
    %mul3A_359 = arith.mulf %add3A_209, %add3A_237 : vector<16xf32>
    %add3A_360 = arith.addf %add3A_358, %mul3A_359 : vector<16xf32>
    %mul3A_361 = arith.mulf %add3A_216, %add3A_265 : vector<16xf32>
    %add3A_362 = arith.addf %add3A_360, %mul3A_361 : vector<16xf32>
    %mul3A_363 = arith.mulf %add3A_195, %add3A_188 : vector<16xf32>
    %mul3A_364 = arith.mulf %add3A_202, %add3A_216 : vector<16xf32>
    %add3A_365 = arith.addf %mul3A_363, %mul3A_364 : vector<16xf32>
    %mul3A_366 = arith.mulf %add3A_209, %add3A_244 : vector<16xf32>
    %add3A_367 = arith.addf %add3A_365, %mul3A_366 : vector<16xf32>
    %mul3A_368 = arith.mulf %add3A_216, %add3A_272 : vector<16xf32>
    %add3A_369 = arith.addf %add3A_367, %mul3A_368 : vector<16xf32>
    %mul3A_370 = arith.mulf %add3A_223, %add3A_167 : vector<16xf32>
    %mul3A_371 = arith.mulf %add3A_230, %add3A_195 : vector<16xf32>
    %add3A_372 = arith.addf %mul3A_370, %mul3A_371 : vector<16xf32>
    %mul3A_373 = arith.mulf %add3A_237, %add3A_223 : vector<16xf32>
    %add3A_374 = arith.addf %add3A_372, %mul3A_373 : vector<16xf32>
    %mul3A_375 = arith.mulf %add3A_244, %add3A_251 : vector<16xf32>
    %add3A_376 = arith.addf %add3A_374, %mul3A_375 : vector<16xf32>
    %mul3A_377 = arith.mulf %add3A_223, %add3A_174 : vector<16xf32>
    %mul3A_378 = arith.mulf %add3A_230, %add3A_202 : vector<16xf32>
    %add3A_379 = arith.addf %mul3A_377, %mul3A_378 : vector<16xf32>
    %mul3A_380 = arith.mulf %add3A_237, %add3A_230 : vector<16xf32>
    %add3A_381 = arith.addf %add3A_379, %mul3A_380 : vector<16xf32>
    %mul3A_382 = arith.mulf %add3A_244, %add3A_258 : vector<16xf32>
    %add3A_383 = arith.addf %add3A_381, %mul3A_382 : vector<16xf32>
    %mul3A_384 = arith.mulf %add3A_223, %add3A_181 : vector<16xf32>
    %mul3A_385 = arith.mulf %add3A_230, %add3A_209 : vector<16xf32>
    %add3A_386 = arith.addf %mul3A_384, %mul3A_385 : vector<16xf32>
    %mul3A_387 = arith.mulf %add3A_237, %add3A_237 : vector<16xf32>
    %add3A_388 = arith.addf %add3A_386, %mul3A_387 : vector<16xf32>
    %mul3A_389 = arith.mulf %add3A_244, %add3A_265 : vector<16xf32>
    %add3A_390 = arith.addf %add3A_388, %mul3A_389 : vector<16xf32>
    %mul3A_391 = arith.mulf %add3A_223, %add3A_188 : vector<16xf32>
    %mul3A_392 = arith.mulf %add3A_230, %add3A_216 : vector<16xf32>
    %add3A_393 = arith.addf %mul3A_391, %mul3A_392 : vector<16xf32>
    %mul3A_394 = arith.mulf %add3A_237, %add3A_244 : vector<16xf32>
    %add3A_395 = arith.addf %add3A_393, %mul3A_394 : vector<16xf32>
    %mul3A_396 = arith.mulf %add3A_244, %add3A_272 : vector<16xf32>
    %add3A_397 = arith.addf %add3A_395, %mul3A_396 : vector<16xf32>
    %mul3A_398 = arith.mulf %add3A_251, %add3A_167 : vector<16xf32>
    %mul3A_399 = arith.mulf %add3A_258, %add3A_195 : vector<16xf32>
    %add3A_400 = arith.addf %mul3A_398, %mul3A_399 : vector<16xf32>
    %mul3A_401 = arith.mulf %add3A_265, %add3A_223 : vector<16xf32>
    %add3A_402 = arith.addf %add3A_400, %mul3A_401 : vector<16xf32>
    %mul3A_403 = arith.mulf %add3A_272, %add3A_251 : vector<16xf32>
    %add3A_404 = arith.addf %add3A_402, %mul3A_403 : vector<16xf32>
    %mul3A_405 = arith.mulf %add3A_251, %add3A_174 : vector<16xf32>
    %mul3A_406 = arith.mulf %add3A_258, %add3A_202 : vector<16xf32>
    %add3A_407 = arith.addf %mul3A_405, %mul3A_406 : vector<16xf32>
    %mul3A_408 = arith.mulf %add3A_265, %add3A_230 : vector<16xf32>
    %add3A_409 = arith.addf %add3A_407, %mul3A_408 : vector<16xf32>
    %mul3A_410 = arith.mulf %add3A_272, %add3A_258 : vector<16xf32>
    %add3A_411 = arith.addf %add3A_409, %mul3A_410 : vector<16xf32>
    %mul3A_412 = arith.mulf %add3A_251, %add3A_181 : vector<16xf32>
    %mul3A_413 = arith.mulf %add3A_258, %add3A_209 : vector<16xf32>
    %add3A_414 = arith.addf %mul3A_412, %mul3A_413 : vector<16xf32>
    %mul3A_415 = arith.mulf %add3A_265, %add3A_237 : vector<16xf32>
    %add3A_416 = arith.addf %add3A_414, %mul3A_415 : vector<16xf32>
    %mul3A_417 = arith.mulf %add3A_272, %add3A_265 : vector<16xf32>
    %add3A_418 = arith.addf %add3A_416, %mul3A_417 : vector<16xf32>
    %mul3A_419 = arith.mulf %add3A_251, %add3A_188 : vector<16xf32>
    %mul3A_420 = arith.mulf %add3A_258, %add3A_216 : vector<16xf32>
    %add3A_421 = arith.addf %mul3A_419, %mul3A_420 : vector<16xf32>
    %mul3A_422 = arith.mulf %add3A_265, %add3A_244 : vector<16xf32>
    %add3A_423 = arith.addf %add3A_421, %mul3A_422 : vector<16xf32>
    %mul3A_424 = arith.mulf %add3A_272, %add3A_272 : vector<16xf32>
    %add3A_425 = arith.addf %add3A_423, %mul3A_424 : vector<16xf32>
    %and3A_426 = arith.constant 1 : i32
    %and3A_427 = vector.broadcast %and3A_426 : i32 to vector<16xi32>
    %and3A_428 = arith.andi %shift_right_logical3A_313, %and3A_427 : vector<16xi32>
    %eq3A_429 = arith.constant 1 : i32
    %eq3A_430 = vector.broadcast %eq3A_429 : i32 to vector<16xi32>
    %eq3A_431 = arith.cmpi eq, %and3A_428, %eq3A_430 : vector<16xi32>
    %mul3A_432 = arith.mulf %select_n3A_307, %add3A_320 : vector<16xf32>
    %mul3A_433 = arith.mulf %select_n3A_308, %add3A_348 : vector<16xf32>
    %add3A_434 = arith.addf %mul3A_432, %mul3A_433 : vector<16xf32>
    %mul3A_435 = arith.mulf %select_n3A_309, %add3A_376 : vector<16xf32>
    %add3A_436 = arith.addf %add3A_434, %mul3A_435 : vector<16xf32>
    %mul3A_437 = arith.mulf %select_n3A_310, %add3A_404 : vector<16xf32>
    %add3A_438 = arith.addf %add3A_436, %mul3A_437 : vector<16xf32>
    %mul3A_439 = arith.mulf %select_n3A_307, %add3A_327 : vector<16xf32>
    %mul3A_440 = arith.mulf %select_n3A_308, %add3A_355 : vector<16xf32>
    %add3A_441 = arith.addf %mul3A_439, %mul3A_440 : vector<16xf32>
    %mul3A_442 = arith.mulf %select_n3A_309, %add3A_383 : vector<16xf32>
    %add3A_443 = arith.addf %add3A_441, %mul3A_442 : vector<16xf32>
    %mul3A_444 = arith.mulf %select_n3A_310, %add3A_411 : vector<16xf32>
    %add3A_445 = arith.addf %add3A_443, %mul3A_444 : vector<16xf32>
    %mul3A_446 = arith.mulf %select_n3A_307, %add3A_334 : vector<16xf32>
    %mul3A_447 = arith.mulf %select_n3A_308, %add3A_362 : vector<16xf32>
    %add3A_448 = arith.addf %mul3A_446, %mul3A_447 : vector<16xf32>
    %mul3A_449 = arith.mulf %select_n3A_309, %add3A_390 : vector<16xf32>
    %add3A_450 = arith.addf %add3A_448, %mul3A_449 : vector<16xf32>
    %mul3A_451 = arith.mulf %select_n3A_310, %add3A_418 : vector<16xf32>
    %add3A_452 = arith.addf %add3A_450, %mul3A_451 : vector<16xf32>
    %mul3A_453 = arith.mulf %select_n3A_307, %add3A_341 : vector<16xf32>
    %mul3A_454 = arith.mulf %select_n3A_308, %add3A_369 : vector<16xf32>
    %add3A_455 = arith.addf %mul3A_453, %mul3A_454 : vector<16xf32>
    %mul3A_456 = arith.mulf %select_n3A_309, %add3A_397 : vector<16xf32>
    %add3A_457 = arith.addf %add3A_455, %mul3A_456 : vector<16xf32>
    %mul3A_458 = arith.mulf %select_n3A_310, %add3A_425 : vector<16xf32>
    %add3A_459 = arith.addf %add3A_457, %mul3A_458 : vector<16xf32>
    %select_n3A_460 = arith.select %eq3A_431, %add3A_438, %select_n3A_307 : vector<16xi1>, vector<16xf32>
    %select_n3A_461 = arith.select %eq3A_431, %add3A_445, %select_n3A_308 : vector<16xi1>, vector<16xf32>
    %select_n3A_462 = arith.select %eq3A_431, %add3A_452, %select_n3A_309 : vector<16xi1>, vector<16xf32>
    %select_n3A_463 = arith.select %eq3A_431, %add3A_459, %select_n3A_310 : vector<16xi1>, vector<16xf32>
    %shift_right_logical3A_464 = arith.constant 1 : i32
    %shift_right_logical3A_465 = vector.broadcast %shift_right_logical3A_464 : i32 to vector<16xi32>
    %shift_right_logical3A_466 = arith.shrui %shift_right_logical3A_313, %shift_right_logical3A_465 : vector<16xi32>
    %mul3A_467 = arith.mulf %add3A_320, %add3A_320 : vector<16xf32>
    %mul3A_468 = arith.mulf %add3A_327, %add3A_348 : vector<16xf32>
    %add3A_469 = arith.addf %mul3A_467, %mul3A_468 : vector<16xf32>
    %mul3A_470 = arith.mulf %add3A_334, %add3A_376 : vector<16xf32>
    %add3A_471 = arith.addf %add3A_469, %mul3A_470 : vector<16xf32>
    %mul3A_472 = arith.mulf %add3A_341, %add3A_404 : vector<16xf32>
    %add3A_473 = arith.addf %add3A_471, %mul3A_472 : vector<16xf32>
    %mul3A_474 = arith.mulf %add3A_320, %add3A_327 : vector<16xf32>
    %mul3A_475 = arith.mulf %add3A_327, %add3A_355 : vector<16xf32>
    %add3A_476 = arith.addf %mul3A_474, %mul3A_475 : vector<16xf32>
    %mul3A_477 = arith.mulf %add3A_334, %add3A_383 : vector<16xf32>
    %add3A_478 = arith.addf %add3A_476, %mul3A_477 : vector<16xf32>
    %mul3A_479 = arith.mulf %add3A_341, %add3A_411 : vector<16xf32>
    %add3A_480 = arith.addf %add3A_478, %mul3A_479 : vector<16xf32>
    %mul3A_481 = arith.mulf %add3A_320, %add3A_334 : vector<16xf32>
    %mul3A_482 = arith.mulf %add3A_327, %add3A_362 : vector<16xf32>
    %add3A_483 = arith.addf %mul3A_481, %mul3A_482 : vector<16xf32>
    %mul3A_484 = arith.mulf %add3A_334, %add3A_390 : vector<16xf32>
    %add3A_485 = arith.addf %add3A_483, %mul3A_484 : vector<16xf32>
    %mul3A_486 = arith.mulf %add3A_341, %add3A_418 : vector<16xf32>
    %add3A_487 = arith.addf %add3A_485, %mul3A_486 : vector<16xf32>
    %mul3A_488 = arith.mulf %add3A_320, %add3A_341 : vector<16xf32>
    %mul3A_489 = arith.mulf %add3A_327, %add3A_369 : vector<16xf32>
    %add3A_490 = arith.addf %mul3A_488, %mul3A_489 : vector<16xf32>
    %mul3A_491 = arith.mulf %add3A_334, %add3A_397 : vector<16xf32>
    %add3A_492 = arith.addf %add3A_490, %mul3A_491 : vector<16xf32>
    %mul3A_493 = arith.mulf %add3A_341, %add3A_425 : vector<16xf32>
    %add3A_494 = arith.addf %add3A_492, %mul3A_493 : vector<16xf32>
    %mul3A_495 = arith.mulf %add3A_348, %add3A_320 : vector<16xf32>
    %mul3A_496 = arith.mulf %add3A_355, %add3A_348 : vector<16xf32>
    %add3A_497 = arith.addf %mul3A_495, %mul3A_496 : vector<16xf32>
    %mul3A_498 = arith.mulf %add3A_362, %add3A_376 : vector<16xf32>
    %add3A_499 = arith.addf %add3A_497, %mul3A_498 : vector<16xf32>
    %mul3A_500 = arith.mulf %add3A_369, %add3A_404 : vector<16xf32>
    %add3A_501 = arith.addf %add3A_499, %mul3A_500 : vector<16xf32>
    %mul3A_502 = arith.mulf %add3A_348, %add3A_327 : vector<16xf32>
    %mul3A_503 = arith.mulf %add3A_355, %add3A_355 : vector<16xf32>
    %add3A_504 = arith.addf %mul3A_502, %mul3A_503 : vector<16xf32>
    %mul3A_505 = arith.mulf %add3A_362, %add3A_383 : vector<16xf32>
    %add3A_506 = arith.addf %add3A_504, %mul3A_505 : vector<16xf32>
    %mul3A_507 = arith.mulf %add3A_369, %add3A_411 : vector<16xf32>
    %add3A_508 = arith.addf %add3A_506, %mul3A_507 : vector<16xf32>
    %mul3A_509 = arith.mulf %add3A_348, %add3A_334 : vector<16xf32>
    %mul3A_510 = arith.mulf %add3A_355, %add3A_362 : vector<16xf32>
    %add3A_511 = arith.addf %mul3A_509, %mul3A_510 : vector<16xf32>
    %mul3A_512 = arith.mulf %add3A_362, %add3A_390 : vector<16xf32>
    %add3A_513 = arith.addf %add3A_511, %mul3A_512 : vector<16xf32>
    %mul3A_514 = arith.mulf %add3A_369, %add3A_418 : vector<16xf32>
    %add3A_515 = arith.addf %add3A_513, %mul3A_514 : vector<16xf32>
    %mul3A_516 = arith.mulf %add3A_348, %add3A_341 : vector<16xf32>
    %mul3A_517 = arith.mulf %add3A_355, %add3A_369 : vector<16xf32>
    %add3A_518 = arith.addf %mul3A_516, %mul3A_517 : vector<16xf32>
    %mul3A_519 = arith.mulf %add3A_362, %add3A_397 : vector<16xf32>
    %add3A_520 = arith.addf %add3A_518, %mul3A_519 : vector<16xf32>
    %mul3A_521 = arith.mulf %add3A_369, %add3A_425 : vector<16xf32>
    %add3A_522 = arith.addf %add3A_520, %mul3A_521 : vector<16xf32>
    %mul3A_523 = arith.mulf %add3A_376, %add3A_320 : vector<16xf32>
    %mul3A_524 = arith.mulf %add3A_383, %add3A_348 : vector<16xf32>
    %add3A_525 = arith.addf %mul3A_523, %mul3A_524 : vector<16xf32>
    %mul3A_526 = arith.mulf %add3A_390, %add3A_376 : vector<16xf32>
    %add3A_527 = arith.addf %add3A_525, %mul3A_526 : vector<16xf32>
    %mul3A_528 = arith.mulf %add3A_397, %add3A_404 : vector<16xf32>
    %add3A_529 = arith.addf %add3A_527, %mul3A_528 : vector<16xf32>
    %mul3A_530 = arith.mulf %add3A_376, %add3A_327 : vector<16xf32>
    %mul3A_531 = arith.mulf %add3A_383, %add3A_355 : vector<16xf32>
    %add3A_532 = arith.addf %mul3A_530, %mul3A_531 : vector<16xf32>
    %mul3A_533 = arith.mulf %add3A_390, %add3A_383 : vector<16xf32>
    %add3A_534 = arith.addf %add3A_532, %mul3A_533 : vector<16xf32>
    %mul3A_535 = arith.mulf %add3A_397, %add3A_411 : vector<16xf32>
    %add3A_536 = arith.addf %add3A_534, %mul3A_535 : vector<16xf32>
    %mul3A_537 = arith.mulf %add3A_376, %add3A_334 : vector<16xf32>
    %mul3A_538 = arith.mulf %add3A_383, %add3A_362 : vector<16xf32>
    %add3A_539 = arith.addf %mul3A_537, %mul3A_538 : vector<16xf32>
    %mul3A_540 = arith.mulf %add3A_390, %add3A_390 : vector<16xf32>
    %add3A_541 = arith.addf %add3A_539, %mul3A_540 : vector<16xf32>
    %mul3A_542 = arith.mulf %add3A_397, %add3A_418 : vector<16xf32>
    %add3A_543 = arith.addf %add3A_541, %mul3A_542 : vector<16xf32>
    %mul3A_544 = arith.mulf %add3A_376, %add3A_341 : vector<16xf32>
    %mul3A_545 = arith.mulf %add3A_383, %add3A_369 : vector<16xf32>
    %add3A_546 = arith.addf %mul3A_544, %mul3A_545 : vector<16xf32>
    %mul3A_547 = arith.mulf %add3A_390, %add3A_397 : vector<16xf32>
    %add3A_548 = arith.addf %add3A_546, %mul3A_547 : vector<16xf32>
    %mul3A_549 = arith.mulf %add3A_397, %add3A_425 : vector<16xf32>
    %add3A_550 = arith.addf %add3A_548, %mul3A_549 : vector<16xf32>
    %mul3A_551 = arith.mulf %add3A_404, %add3A_320 : vector<16xf32>
    %mul3A_552 = arith.mulf %add3A_411, %add3A_348 : vector<16xf32>
    %add3A_553 = arith.addf %mul3A_551, %mul3A_552 : vector<16xf32>
    %mul3A_554 = arith.mulf %add3A_418, %add3A_376 : vector<16xf32>
    %add3A_555 = arith.addf %add3A_553, %mul3A_554 : vector<16xf32>
    %mul3A_556 = arith.mulf %add3A_425, %add3A_404 : vector<16xf32>
    %add3A_557 = arith.addf %add3A_555, %mul3A_556 : vector<16xf32>
    %mul3A_558 = arith.mulf %add3A_404, %add3A_327 : vector<16xf32>
    %mul3A_559 = arith.mulf %add3A_411, %add3A_355 : vector<16xf32>
    %add3A_560 = arith.addf %mul3A_558, %mul3A_559 : vector<16xf32>
    %mul3A_561 = arith.mulf %add3A_418, %add3A_383 : vector<16xf32>
    %add3A_562 = arith.addf %add3A_560, %mul3A_561 : vector<16xf32>
    %mul3A_563 = arith.mulf %add3A_425, %add3A_411 : vector<16xf32>
    %add3A_564 = arith.addf %add3A_562, %mul3A_563 : vector<16xf32>
    %mul3A_565 = arith.mulf %add3A_404, %add3A_334 : vector<16xf32>
    %mul3A_566 = arith.mulf %add3A_411, %add3A_362 : vector<16xf32>
    %add3A_567 = arith.addf %mul3A_565, %mul3A_566 : vector<16xf32>
    %mul3A_568 = arith.mulf %add3A_418, %add3A_390 : vector<16xf32>
    %add3A_569 = arith.addf %add3A_567, %mul3A_568 : vector<16xf32>
    %mul3A_570 = arith.mulf %add3A_425, %add3A_418 : vector<16xf32>
    %add3A_571 = arith.addf %add3A_569, %mul3A_570 : vector<16xf32>
    %mul3A_572 = arith.mulf %add3A_404, %add3A_341 : vector<16xf32>
    %mul3A_573 = arith.mulf %add3A_411, %add3A_369 : vector<16xf32>
    %add3A_574 = arith.addf %mul3A_572, %mul3A_573 : vector<16xf32>
    %mul3A_575 = arith.mulf %add3A_418, %add3A_397 : vector<16xf32>
    %add3A_576 = arith.addf %add3A_574, %mul3A_575 : vector<16xf32>
    %mul3A_577 = arith.mulf %add3A_425, %add3A_425 : vector<16xf32>
    %add3A_578 = arith.addf %add3A_576, %mul3A_577 : vector<16xf32>
    %and3A_579 = arith.constant 1 : i32
    %and3A_580 = vector.broadcast %and3A_579 : i32 to vector<16xi32>
    %and3A_581 = arith.andi %shift_right_logical3A_466, %and3A_580 : vector<16xi32>
    %eq3A_582 = arith.constant 1 : i32
    %eq3A_583 = vector.broadcast %eq3A_582 : i32 to vector<16xi32>
    %eq3A_584 = arith.cmpi eq, %and3A_581, %eq3A_583 : vector<16xi32>
    %mul3A_585 = arith.mulf %select_n3A_460, %add3A_473 : vector<16xf32>
    %mul3A_586 = arith.mulf %select_n3A_461, %add3A_501 : vector<16xf32>
    %add3A_587 = arith.addf %mul3A_585, %mul3A_586 : vector<16xf32>
    %mul3A_588 = arith.mulf %select_n3A_462, %add3A_529 : vector<16xf32>
    %add3A_589 = arith.addf %add3A_587, %mul3A_588 : vector<16xf32>
    %mul3A_590 = arith.mulf %select_n3A_463, %add3A_557 : vector<16xf32>
    %add3A_591 = arith.addf %add3A_589, %mul3A_590 : vector<16xf32>
    %mul3A_592 = arith.mulf %select_n3A_460, %add3A_480 : vector<16xf32>
    %mul3A_593 = arith.mulf %select_n3A_461, %add3A_508 : vector<16xf32>
    %add3A_594 = arith.addf %mul3A_592, %mul3A_593 : vector<16xf32>
    %mul3A_595 = arith.mulf %select_n3A_462, %add3A_536 : vector<16xf32>
    %add3A_596 = arith.addf %add3A_594, %mul3A_595 : vector<16xf32>
    %mul3A_597 = arith.mulf %select_n3A_463, %add3A_564 : vector<16xf32>
    %add3A_598 = arith.addf %add3A_596, %mul3A_597 : vector<16xf32>
    %mul3A_599 = arith.mulf %select_n3A_460, %add3A_487 : vector<16xf32>
    %mul3A_600 = arith.mulf %select_n3A_461, %add3A_515 : vector<16xf32>
    %add3A_601 = arith.addf %mul3A_599, %mul3A_600 : vector<16xf32>
    %mul3A_602 = arith.mulf %select_n3A_462, %add3A_543 : vector<16xf32>
    %add3A_603 = arith.addf %add3A_601, %mul3A_602 : vector<16xf32>
    %mul3A_604 = arith.mulf %select_n3A_463, %add3A_571 : vector<16xf32>
    %add3A_605 = arith.addf %add3A_603, %mul3A_604 : vector<16xf32>
    %mul3A_606 = arith.mulf %select_n3A_460, %add3A_494 : vector<16xf32>
    %mul3A_607 = arith.mulf %select_n3A_461, %add3A_522 : vector<16xf32>
    %add3A_608 = arith.addf %mul3A_606, %mul3A_607 : vector<16xf32>
    %mul3A_609 = arith.mulf %select_n3A_462, %add3A_550 : vector<16xf32>
    %add3A_610 = arith.addf %add3A_608, %mul3A_609 : vector<16xf32>
    %mul3A_611 = arith.mulf %select_n3A_463, %add3A_578 : vector<16xf32>
    %add3A_612 = arith.addf %add3A_610, %mul3A_611 : vector<16xf32>
    %select_n3A_613 = arith.select %eq3A_584, %add3A_591, %select_n3A_460 : vector<16xi1>, vector<16xf32>
    %select_n3A_614 = arith.select %eq3A_584, %add3A_598, %select_n3A_461 : vector<16xi1>, vector<16xf32>
    %select_n3A_615 = arith.select %eq3A_584, %add3A_605, %select_n3A_462 : vector<16xi1>, vector<16xf32>
    %select_n3A_616 = arith.select %eq3A_584, %add3A_612, %select_n3A_463 : vector<16xi1>, vector<16xf32>
    %shift_right_logical3A_617 = arith.constant 1 : i32
    %shift_right_logical3A_618 = vector.broadcast %shift_right_logical3A_617 : i32 to vector<16xi32>
    %shift_right_logical3A_619 = arith.shrui %shift_right_logical3A_466, %shift_right_logical3A_618 : vector<16xi32>
    %select_n3A_620 = arith.select %ge3A_10, %select_n3A_613, %broadcast_in_dim3A_113 : vector<16xi1>, vector<16xf32>
    %mul3A_621 = arith.constant 4 : i32
    %mul3A_622 = vector.broadcast %mul3A_621 : i32 to vector<16xi32>
    %mul3A_623 = arith.muli %iota3A, %mul3A_622 : vector<16xi32>
    %add3A_624 = arith.constant 0 : i32
    %add3A_625 = vector.broadcast %add3A_624 : i32 to vector<16xi32>
    %add3A_626 = arith.addi %add3A_625, %mul3A_623 : vector<16xi32>
    %add3A_627 = arith.constant 0 : i32
    %add3A_628 = vector.broadcast %add3A_627 : i32 to vector<16xi32>
    %add3A_629 = arith.addi %add3A_626, %add3A_628 : vector<16xi32>
    tpu.vector_store_idx %arg9[%add3A_629], %select_n3A_620 : memref<128xf32, #tpu.memory_space<vmem>>[vector<16xi32>], vector<16xf32>,
    %select_n3A_630 = arith.select %ge3A_10, %select_n3A_614, %broadcast_in_dim3A_113 : vector<16xi1>, vector<16xf32>
    %mul3A_631 = arith.constant 4 : i32
    %mul3A_632 = vector.broadcast %mul3A_631 : i32 to vector<16xi32>
    %mul3A_633 = arith.muli %iota3A, %mul3A_632 : vector<16xi32>
    %add3A_634 = arith.constant 0 : i32
    %add3A_635 = vector.broadcast %add3A_634 : i32 to vector<16xi32>
    %add3A_636 = arith.addi %add3A_635, %mul3A_633 : vector<16xi32>
    %add3A_637 = arith.constant 1 : i32
    %add3A_638 = vector.broadcast %add3A_637 : i32 to vector<16xi32>
    %add3A_639 = arith.addi %add3A_636, %add3A_638 : vector<16xi32>
    tpu.vector_store_idx %arg9[%add3A_639], %select_n3A_630 : memref<128xf32, #tpu.memory_space<vmem>>[vector<16xi32>], vector<16xf32>,
    %select_n3A_640 = arith.select %ge3A_10, %select_n3A_615, %broadcast_in_dim3A_113 : vector<16xi1>, vector<16xf32>
    %mul3A_641 = arith.constant 4 : i32
    %mul3A_642 = vector.broadcast %mul3A_641 : i32 to vector<16xi32>
    %mul3A_643 = arith.muli %iota3A, %mul3A_642 : vector<16xi32>
    %add3A_644 = arith.constant 0 : i32
    %add3A_645 = vector.broadcast %add3A_644 : i32 to vector<16xi32>
    %add3A_646 = arith.addi %add3A_645, %mul3A_643 : vector<16xi32>
    %add3A_647 = arith.constant 2 : i32
    %add3A_648 = vector.broadcast %add3A_647 : i32 to vector<16xi32>
    %add3A_649 = arith.addi %add3A_646, %add3A_648 : vector<16xi32>
    tpu.vector_store_idx %arg9[%add3A_649], %select_n3A_640 : memref<128xf32, #tpu.memory_space<vmem>>[vector<16xi32>], vector<16xf32>,
    %select_n3A_650 = arith.select %ge3A_10, %select_n3A_616, %broadcast_in_dim3A_113 : vector<16xi1>, vector<16xf32>
    %mul3A_651 = arith.constant 4 : i32
    %mul3A_652 = vector.broadcast %mul3A_651 : i32 to vector<16xi32>
    %mul3A_653 = arith.muli %iota3A, %mul3A_652 : vector<16xi32>
    %add3A_654 = arith.constant 0 : i32
    %add3A_655 = vector.broadcast %add3A_654 : i32 to vector<16xi32>
    %add3A_656 = arith.addi %add3A_655, %mul3A_653 : vector<16xi32>
    %add3A_657 = arith.constant 3 : i32
    %add3A_658 = vector.broadcast %add3A_657 : i32 to vector<16xi32>
    %add3A_659 = arith.addi %add3A_656, %add3A_658 : vector<16xi32>
    tpu.vector_store_idx %arg9[%add3A_659], %select_n3A_650 : memref<128xf32, #tpu.memory_space<vmem>>[vector<16xi32>], vector<16xf32>,
    %mul3A_660 = arith.constant 32 : i32
    %mul3A_661 = arith.muli %add3A, %mul3A_660 : i32
    %add3A_662 = arith.constant 16 : i32
    %add3A_663 = arith.addi %mul3A_661, %add3A_662 : i32
    %iota3A_664 = tpu.iota {dimensions = array<i32: 0>} : vector<16xi32>
    %add3A_665 = vector.broadcast %add3A_663 : i32 to vector<16xi32>
    %add3A_666 = arith.addi %add3A_665, %iota3A_664 : vector<16xi32>
    %and3A_667 = arith.constant 63 : i32
    %and3A_668 = vector.broadcast %and3A_667 : i32 to vector<16xi32>
    %and3A_669 = arith.andi %add3A_666, %and3A_668 : vector<16xi32>
    %ge3A_670 = arith.constant 3 : i32
    %ge3A_671 = vector.broadcast %ge3A_670 : i32 to vector<16xi32>
    %ge3A_672 = arith.cmpi sge, %and3A_669, %ge3A_671 : vector<16xi32>
    %sub3A_673 = arith.constant 3 : i32
    %sub3A_674 = vector.broadcast %sub3A_673 : i32 to vector<16xi32>
    %sub3A_675 = arith.subi %add3A_666, %sub3A_674 : vector<16xi32>
    %max3A_676 = arith.constant 0 : i32
    %max3A_677 = vector.broadcast %max3A_676 : i32 to vector<16xi32>
    %max3A_678 = arith.maxsi %sub3A_675, %max3A_677 : vector<16xi32>
    %gather3A_679 = tpu.vector_load_idx %arg8[%max3A_678] : memref<512xi32, #tpu.memory_space<vmem>>[vector<16xi32>], vector<16xi32>,
    %sub3A_680 = arith.constant 2 : i32
    %sub3A_681 = vector.broadcast %sub3A_680 : i32 to vector<16xi32>
    %sub3A_682 = arith.subi %add3A_666, %sub3A_681 : vector<16xi32>
    %max3A_683 = arith.constant 0 : i32
    %max3A_684 = vector.broadcast %max3A_683 : i32 to vector<16xi32>
    %max3A_685 = arith.maxsi %sub3A_682, %max3A_684 : vector<16xi32>
    %gather3A_686 = tpu.vector_load_idx %arg8[%max3A_685] : memref<512xi32, #tpu.memory_space<vmem>>[vector<16xi32>], vector<16xi32>,
    %sub3A_687 = arith.constant 1 : i32
    %sub3A_688 = vector.broadcast %sub3A_687 : i32 to vector<16xi32>
    %sub3A_689 = arith.subi %add3A_666, %sub3A_688 : vector<16xi32>
    %max3A_690 = arith.constant 0 : i32
    %max3A_691 = vector.broadcast %max3A_690 : i32 to vector<16xi32>
    %max3A_692 = arith.maxsi %sub3A_689, %max3A_691 : vector<16xi32>
    %gather3A_693 = tpu.vector_load_idx %arg8[%max3A_692] : memref<512xi32, #tpu.memory_space<vmem>>[vector<16xi32>], vector<16xi32>,
    %mul3A_694 = arith.constant 16 : i32
    %mul3A_695 = vector.broadcast %mul3A_694 : i32 to vector<16xi32>
    %mul3A_696 = arith.muli %gather3A_679, %mul3A_695 : vector<16xi32>
    %mul3A_697 = arith.constant 4 : i32
    %mul3A_698 = vector.broadcast %mul3A_697 : i32 to vector<16xi32>
    %mul3A_699 = arith.muli %gather3A_686, %mul3A_698 : vector<16xi32>
    %add3A_700 = arith.addi %mul3A_696, %mul3A_699 : vector<16xi32>
    %add3A_701 = arith.addi %add3A_700, %gather3A_693 : vector<16xi32>
    %shift_right_logical3A_702 = arith.constant 6 : i32
    %shift_right_logical3A_703 = vector.broadcast %shift_right_logical3A_702 : i32 to vector<16xi32>
    %shift_right_logical3A_704 = arith.shrui %add3A_666, %shift_right_logical3A_703 : vector<16xi32>
    %mul3A_705 = arith.constant 64 : i32
    %mul3A_706 = vector.broadcast %mul3A_705 : i32 to vector<16xi32>
    %mul3A_707 = arith.muli %shift_right_logical3A_704, %mul3A_706 : vector<16xi32>
    %add3A_708 = arith.addi %mul3A_707, %add3A_701 : vector<16xi32>
    %gather3A_709 = tpu.vector_load_idx %arg7[%add3A_708] : memref<512xi32, #tpu.memory_space<vmem>>[vector<16xi32>], vector<16xi32>,
    %mul3A_710 = arith.constant 16 : i32
    %mul3A_711 = vector.broadcast %mul3A_710 : i32 to vector<16xi32>
    %mul3A_712 = arith.muli %add3A_701, %mul3A_711 : vector<16xi32>
    %add3A_713 = arith.constant 0 : i32
    %add3A_714 = vector.broadcast %add3A_713 : i32 to vector<16xi32>
    %add3A_715 = arith.addi %mul3A_712, %add3A_714 : vector<16xi32>
    %gather3A_716 = tpu.vector_load_idx %arg6[%add3A_715] : memref<1024xf32, #tpu.memory_space<vmem>>[vector<16xi32>], vector<16xf32>,
    %add3A_717 = arith.constant 1 : i32
    %add3A_718 = vector.broadcast %add3A_717 : i32 to vector<16xi32>
    %add3A_719 = arith.addi %mul3A_712, %add3A_718 : vector<16xi32>
    %gather3A_720 = tpu.vector_load_idx %arg6[%add3A_719] : memref<1024xf32, #tpu.memory_space<vmem>>[vector<16xi32>], vector<16xf32>,
    %add3A_721 = arith.constant 2 : i32
    %add3A_722 = vector.broadcast %add3A_721 : i32 to vector<16xi32>
    %add3A_723 = arith.addi %mul3A_712, %add3A_722 : vector<16xi32>
    %gather3A_724 = tpu.vector_load_idx %arg6[%add3A_723] : memref<1024xf32, #tpu.memory_space<vmem>>[vector<16xi32>], vector<16xf32>,
    %add3A_725 = arith.constant 3 : i32
    %add3A_726 = vector.broadcast %add3A_725 : i32 to vector<16xi32>
    %add3A_727 = arith.addi %mul3A_712, %add3A_726 : vector<16xi32>
    %gather3A_728 = tpu.vector_load_idx %arg6[%add3A_727] : memref<1024xf32, #tpu.memory_space<vmem>>[vector<16xi32>], vector<16xf32>,
    %add3A_729 = arith.constant 4 : i32
    %add3A_730 = vector.broadcast %add3A_729 : i32 to vector<16xi32>
    %add3A_731 = arith.addi %mul3A_712, %add3A_730 : vector<16xi32>
    %gather3A_732 = tpu.vector_load_idx %arg6[%add3A_731] : memref<1024xf32, #tpu.memory_space<vmem>>[vector<16xi32>], vector<16xf32>,
    %add3A_733 = arith.constant 5 : i32
    %add3A_734 = vector.broadcast %add3A_733 : i32 to vector<16xi32>
    %add3A_735 = arith.addi %mul3A_712, %add3A_734 : vector<16xi32>
    %gather3A_736 = tpu.vector_load_idx %arg6[%add3A_735] : memref<1024xf32, #tpu.memory_space<vmem>>[vector<16xi32>], vector<16xf32>,
    %add3A_737 = arith.constant 6 : i32
    %add3A_738 = vector.broadcast %add3A_737 : i32 to vector<16xi32>
    %add3A_739 = arith.addi %mul3A_712, %add3A_738 : vector<16xi32>
    %gather3A_740 = tpu.vector_load_idx %arg6[%add3A_739] : memref<1024xf32, #tpu.memory_space<vmem>>[vector<16xi32>], vector<16xf32>,
    %add3A_741 = arith.constant 7 : i32
    %add3A_742 = vector.broadcast %add3A_741 : i32 to vector<16xi32>
    %add3A_743 = arith.addi %mul3A_712, %add3A_742 : vector<16xi32>
    %gather3A_744 = tpu.vector_load_idx %arg6[%add3A_743] : memref<1024xf32, #tpu.memory_space<vmem>>[vector<16xi32>], vector<16xf32>,
    %add3A_745 = arith.constant 8 : i32
    %add3A_746 = vector.broadcast %add3A_745 : i32 to vector<16xi32>
    %add3A_747 = arith.addi %mul3A_712, %add3A_746 : vector<16xi32>
    %gather3A_748 = tpu.vector_load_idx %arg6[%add3A_747] : memref<1024xf32, #tpu.memory_space<vmem>>[vector<16xi32>], vector<16xf32>,
    %add3A_749 = arith.constant 9 : i32
    %add3A_750 = vector.broadcast %add3A_749 : i32 to vector<16xi32>
    %add3A_751 = arith.addi %mul3A_712, %add3A_750 : vector<16xi32>
    %gather3A_752 = tpu.vector_load_idx %arg6[%add3A_751] : memref<1024xf32, #tpu.memory_space<vmem>>[vector<16xi32>], vector<16xf32>,
    %add3A_753 = arith.constant 10 : i32
    %add3A_754 = vector.broadcast %add3A_753 : i32 to vector<16xi32>
    %add3A_755 = arith.addi %mul3A_712, %add3A_754 : vector<16xi32>
    %gather3A_756 = tpu.vector_load_idx %arg6[%add3A_755] : memref<1024xf32, #tpu.memory_space<vmem>>[vector<16xi32>], vector<16xf32>,
    %add3A_757 = arith.constant 11 : i32
    %add3A_758 = vector.broadcast %add3A_757 : i32 to vector<16xi32>
    %add3A_759 = arith.addi %mul3A_712, %add3A_758 : vector<16xi32>
    %gather3A_760 = tpu.vector_load_idx %arg6[%add3A_759] : memref<1024xf32, #tpu.memory_space<vmem>>[vector<16xi32>], vector<16xf32>,
    %add3A_761 = arith.constant 12 : i32
    %add3A_762 = vector.broadcast %add3A_761 : i32 to vector<16xi32>
    %add3A_763 = arith.addi %mul3A_712, %add3A_762 : vector<16xi32>
    %gather3A_764 = tpu.vector_load_idx %arg6[%add3A_763] : memref<1024xf32, #tpu.memory_space<vmem>>[vector<16xi32>], vector<16xf32>,
    %add3A_765 = arith.constant 13 : i32
    %add3A_766 = vector.broadcast %add3A_765 : i32 to vector<16xi32>
    %add3A_767 = arith.addi %mul3A_712, %add3A_766 : vector<16xi32>
    %gather3A_768 = tpu.vector_load_idx %arg6[%add3A_767] : memref<1024xf32, #tpu.memory_space<vmem>>[vector<16xi32>], vector<16xf32>,
    %add3A_769 = arith.constant 14 : i32
    %add3A_770 = vector.broadcast %add3A_769 : i32 to vector<16xi32>
    %add3A_771 = arith.addi %mul3A_712, %add3A_770 : vector<16xi32>
    %gather3A_772 = tpu.vector_load_idx %arg6[%add3A_771] : memref<1024xf32, #tpu.memory_space<vmem>>[vector<16xi32>], vector<16xf32>,
    %add3A_773 = arith.constant 15 : i32
    %add3A_774 = vector.broadcast %add3A_773 : i32 to vector<16xi32>
    %add3A_775 = arith.addi %mul3A_712, %add3A_774 : vector<16xi32>
    %gather3A_776 = tpu.vector_load_idx %arg6[%add3A_775] : memref<1024xf32, #tpu.memory_space<vmem>>[vector<16xi32>], vector<16xf32>,
    %broadcast_in_dim3A_777 = arith.constant 1.000000e+00 : f32
    %broadcast_in_dim3A_778 = vector.broadcast %broadcast_in_dim3A_777 : f32 to vector<16xf32>
    %broadcast_in_dim3A_779 = arith.constant 0.000000e+00 : f32
    %broadcast_in_dim3A_780 = vector.broadcast %broadcast_in_dim3A_779 : f32 to vector<16xf32>
    %and3A_781 = arith.constant 1 : i32
    %and3A_782 = vector.broadcast %and3A_781 : i32 to vector<16xi32>
    %and3A_783 = arith.andi %gather3A_709, %and3A_782 : vector<16xi32>
    %eq3A_784 = arith.constant 1 : i32
    %eq3A_785 = vector.broadcast %eq3A_784 : i32 to vector<16xi32>
    %eq3A_786 = arith.cmpi eq, %and3A_783, %eq3A_785 : vector<16xi32>
    %mul3A_787 = arith.constant 4 : i32
    %mul3A_788 = vector.broadcast %mul3A_787 : i32 to vector<16xi32>
    %mul3A_789 = arith.muli %gather3A_693, %mul3A_788 : vector<16xi32>
    %add3A_790 = arith.addi %mul3A_712, %mul3A_789 : vector<16xi32>
    %eq3A_791 = arith.constant 0 : i32
    %eq3A_792 = vector.broadcast %eq3A_791 : i32 to vector<16xi32>
    %eq3A_793 = arith.cmpi eq, %gather3A_693, %eq3A_792 : vector<16xi32>
    %select_n3A_794 = arith.select %eq3A_793, %broadcast_in_dim3A_778, %broadcast_in_dim3A_780 : vector<16xi1>, vector<16xf32>
    %add3A_795 = arith.constant 0 : i32
    %add3A_796 = vector.broadcast %add3A_795 : i32 to vector<16xi32>
    %add3A_797 = arith.addi %add3A_790, %add3A_796 : vector<16xi32>
    %gather3A_798 = tpu.vector_load_idx %arg6[%add3A_797] : memref<1024xf32, #tpu.memory_space<vmem>>[vector<16xi32>], vector<16xf32>,
    %select_n3A_799 = arith.select %eq3A_786, %gather3A_798, %select_n3A_794 : vector<16xi1>, vector<16xf32>
    %eq3A_800 = arith.constant 1 : i32
    %eq3A_801 = vector.broadcast %eq3A_800 : i32 to vector<16xi32>
    %eq3A_802 = arith.cmpi eq, %gather3A_693, %eq3A_801 : vector<16xi32>
    %select_n3A_803 = arith.select %eq3A_802, %broadcast_in_dim3A_778, %broadcast_in_dim3A_780 : vector<16xi1>, vector<16xf32>
    %add3A_804 = arith.constant 1 : i32
    %add3A_805 = vector.broadcast %add3A_804 : i32 to vector<16xi32>
    %add3A_806 = arith.addi %add3A_790, %add3A_805 : vector<16xi32>
    %gather3A_807 = tpu.vector_load_idx %arg6[%add3A_806] : memref<1024xf32, #tpu.memory_space<vmem>>[vector<16xi32>], vector<16xf32>,
    %select_n3A_808 = arith.select %eq3A_786, %gather3A_807, %select_n3A_803 : vector<16xi1>, vector<16xf32>
    %eq3A_809 = arith.constant 2 : i32
    %eq3A_810 = vector.broadcast %eq3A_809 : i32 to vector<16xi32>
    %eq3A_811 = arith.cmpi eq, %gather3A_693, %eq3A_810 : vector<16xi32>
    %select_n3A_812 = arith.select %eq3A_811, %broadcast_in_dim3A_778, %broadcast_in_dim3A_780 : vector<16xi1>, vector<16xf32>
    %add3A_813 = arith.constant 2 : i32
    %add3A_814 = vector.broadcast %add3A_813 : i32 to vector<16xi32>
    %add3A_815 = arith.addi %add3A_790, %add3A_814 : vector<16xi32>
    %gather3A_816 = tpu.vector_load_idx %arg6[%add3A_815] : memref<1024xf32, #tpu.memory_space<vmem>>[vector<16xi32>], vector<16xf32>,
    %select_n3A_817 = arith.select %eq3A_786, %gather3A_816, %select_n3A_812 : vector<16xi1>, vector<16xf32>
    %eq3A_818 = arith.constant 3 : i32
    %eq3A_819 = vector.broadcast %eq3A_818 : i32 to vector<16xi32>
    %eq3A_820 = arith.cmpi eq, %gather3A_693, %eq3A_819 : vector<16xi32>
    %select_n3A_821 = arith.select %eq3A_820, %broadcast_in_dim3A_778, %broadcast_in_dim3A_780 : vector<16xi1>, vector<16xf32>
    %add3A_822 = arith.constant 3 : i32
    %add3A_823 = vector.broadcast %add3A_822 : i32 to vector<16xi32>
    %add3A_824 = arith.addi %add3A_790, %add3A_823 : vector<16xi32>
    %gather3A_825 = tpu.vector_load_idx %arg6[%add3A_824] : memref<1024xf32, #tpu.memory_space<vmem>>[vector<16xi32>], vector<16xf32>,
    %select_n3A_826 = arith.select %eq3A_786, %gather3A_825, %select_n3A_821 : vector<16xi1>, vector<16xf32>
    %shift_right_logical3A_827 = arith.constant 1 : i32
    %shift_right_logical3A_828 = vector.broadcast %shift_right_logical3A_827 : i32 to vector<16xi32>
    %shift_right_logical3A_829 = arith.shrui %gather3A_709, %shift_right_logical3A_828 : vector<16xi32>
    %mul3A_830 = arith.mulf %gather3A_716, %gather3A_716 : vector<16xf32>
    %mul3A_831 = arith.mulf %gather3A_720, %gather3A_732 : vector<16xf32>
    %add3A_832 = arith.addf %mul3A_830, %mul3A_831 : vector<16xf32>
    %mul3A_833 = arith.mulf %gather3A_724, %gather3A_748 : vector<16xf32>
    %add3A_834 = arith.addf %add3A_832, %mul3A_833 : vector<16xf32>
    %mul3A_835 = arith.mulf %gather3A_728, %gather3A_764 : vector<16xf32>
    %add3A_836 = arith.addf %add3A_834, %mul3A_835 : vector<16xf32>
    %mul3A_837 = arith.mulf %gather3A_716, %gather3A_720 : vector<16xf32>
    %mul3A_838 = arith.mulf %gather3A_720, %gather3A_736 : vector<16xf32>
    %add3A_839 = arith.addf %mul3A_837, %mul3A_838 : vector<16xf32>
    %mul3A_840 = arith.mulf %gather3A_724, %gather3A_752 : vector<16xf32>
    %add3A_841 = arith.addf %add3A_839, %mul3A_840 : vector<16xf32>
    %mul3A_842 = arith.mulf %gather3A_728, %gather3A_768 : vector<16xf32>
    %add3A_843 = arith.addf %add3A_841, %mul3A_842 : vector<16xf32>
    %mul3A_844 = arith.mulf %gather3A_716, %gather3A_724 : vector<16xf32>
    %mul3A_845 = arith.mulf %gather3A_720, %gather3A_740 : vector<16xf32>
    %add3A_846 = arith.addf %mul3A_844, %mul3A_845 : vector<16xf32>
    %mul3A_847 = arith.mulf %gather3A_724, %gather3A_756 : vector<16xf32>
    %add3A_848 = arith.addf %add3A_846, %mul3A_847 : vector<16xf32>
    %mul3A_849 = arith.mulf %gather3A_728, %gather3A_772 : vector<16xf32>
    %add3A_850 = arith.addf %add3A_848, %mul3A_849 : vector<16xf32>
    %mul3A_851 = arith.mulf %gather3A_716, %gather3A_728 : vector<16xf32>
    %mul3A_852 = arith.mulf %gather3A_720, %gather3A_744 : vector<16xf32>
    %add3A_853 = arith.addf %mul3A_851, %mul3A_852 : vector<16xf32>
    %mul3A_854 = arith.mulf %gather3A_724, %gather3A_760 : vector<16xf32>
    %add3A_855 = arith.addf %add3A_853, %mul3A_854 : vector<16xf32>
    %mul3A_856 = arith.mulf %gather3A_728, %gather3A_776 : vector<16xf32>
    %add3A_857 = arith.addf %add3A_855, %mul3A_856 : vector<16xf32>
    %mul3A_858 = arith.mulf %gather3A_732, %gather3A_716 : vector<16xf32>
    %mul3A_859 = arith.mulf %gather3A_736, %gather3A_732 : vector<16xf32>
    %add3A_860 = arith.addf %mul3A_858, %mul3A_859 : vector<16xf32>
    %mul3A_861 = arith.mulf %gather3A_740, %gather3A_748 : vector<16xf32>
    %add3A_862 = arith.addf %add3A_860, %mul3A_861 : vector<16xf32>
    %mul3A_863 = arith.mulf %gather3A_744, %gather3A_764 : vector<16xf32>
    %add3A_864 = arith.addf %add3A_862, %mul3A_863 : vector<16xf32>
    %mul3A_865 = arith.mulf %gather3A_732, %gather3A_720 : vector<16xf32>
    %mul3A_866 = arith.mulf %gather3A_736, %gather3A_736 : vector<16xf32>
    %add3A_867 = arith.addf %mul3A_865, %mul3A_866 : vector<16xf32>
    %mul3A_868 = arith.mulf %gather3A_740, %gather3A_752 : vector<16xf32>
    %add3A_869 = arith.addf %add3A_867, %mul3A_868 : vector<16xf32>
    %mul3A_870 = arith.mulf %gather3A_744, %gather3A_768 : vector<16xf32>
    %add3A_871 = arith.addf %add3A_869, %mul3A_870 : vector<16xf32>
    %mul3A_872 = arith.mulf %gather3A_732, %gather3A_724 : vector<16xf32>
    %mul3A_873 = arith.mulf %gather3A_736, %gather3A_740 : vector<16xf32>
    %add3A_874 = arith.addf %mul3A_872, %mul3A_873 : vector<16xf32>
    %mul3A_875 = arith.mulf %gather3A_740, %gather3A_756 : vector<16xf32>
    %add3A_876 = arith.addf %add3A_874, %mul3A_875 : vector<16xf32>
    %mul3A_877 = arith.mulf %gather3A_744, %gather3A_772 : vector<16xf32>
    %add3A_878 = arith.addf %add3A_876, %mul3A_877 : vector<16xf32>
    %mul3A_879 = arith.mulf %gather3A_732, %gather3A_728 : vector<16xf32>
    %mul3A_880 = arith.mulf %gather3A_736, %gather3A_744 : vector<16xf32>
    %add3A_881 = arith.addf %mul3A_879, %mul3A_880 : vector<16xf32>
    %mul3A_882 = arith.mulf %gather3A_740, %gather3A_760 : vector<16xf32>
    %add3A_883 = arith.addf %add3A_881, %mul3A_882 : vector<16xf32>
    %mul3A_884 = arith.mulf %gather3A_744, %gather3A_776 : vector<16xf32>
    %add3A_885 = arith.addf %add3A_883, %mul3A_884 : vector<16xf32>
    %mul3A_886 = arith.mulf %gather3A_748, %gather3A_716 : vector<16xf32>
    %mul3A_887 = arith.mulf %gather3A_752, %gather3A_732 : vector<16xf32>
    %add3A_888 = arith.addf %mul3A_886, %mul3A_887 : vector<16xf32>
    %mul3A_889 = arith.mulf %gather3A_756, %gather3A_748 : vector<16xf32>
    %add3A_890 = arith.addf %add3A_888, %mul3A_889 : vector<16xf32>
    %mul3A_891 = arith.mulf %gather3A_760, %gather3A_764 : vector<16xf32>
    %add3A_892 = arith.addf %add3A_890, %mul3A_891 : vector<16xf32>
    %mul3A_893 = arith.mulf %gather3A_748, %gather3A_720 : vector<16xf32>
    %mul3A_894 = arith.mulf %gather3A_752, %gather3A_736 : vector<16xf32>
    %add3A_895 = arith.addf %mul3A_893, %mul3A_894 : vector<16xf32>
    %mul3A_896 = arith.mulf %gather3A_756, %gather3A_752 : vector<16xf32>
    %add3A_897 = arith.addf %add3A_895, %mul3A_896 : vector<16xf32>
    %mul3A_898 = arith.mulf %gather3A_760, %gather3A_768 : vector<16xf32>
    %add3A_899 = arith.addf %add3A_897, %mul3A_898 : vector<16xf32>
    %mul3A_900 = arith.mulf %gather3A_748, %gather3A_724 : vector<16xf32>
    %mul3A_901 = arith.mulf %gather3A_752, %gather3A_740 : vector<16xf32>
    %add3A_902 = arith.addf %mul3A_900, %mul3A_901 : vector<16xf32>
    %mul3A_903 = arith.mulf %gather3A_756, %gather3A_756 : vector<16xf32>
    %add3A_904 = arith.addf %add3A_902, %mul3A_903 : vector<16xf32>
    %mul3A_905 = arith.mulf %gather3A_760, %gather3A_772 : vector<16xf32>
    %add3A_906 = arith.addf %add3A_904, %mul3A_905 : vector<16xf32>
    %mul3A_907 = arith.mulf %gather3A_748, %gather3A_728 : vector<16xf32>
    %mul3A_908 = arith.mulf %gather3A_752, %gather3A_744 : vector<16xf32>
    %add3A_909 = arith.addf %mul3A_907, %mul3A_908 : vector<16xf32>
    %mul3A_910 = arith.mulf %gather3A_756, %gather3A_760 : vector<16xf32>
    %add3A_911 = arith.addf %add3A_909, %mul3A_910 : vector<16xf32>
    %mul3A_912 = arith.mulf %gather3A_760, %gather3A_776 : vector<16xf32>
    %add3A_913 = arith.addf %add3A_911, %mul3A_912 : vector<16xf32>
    %mul3A_914 = arith.mulf %gather3A_764, %gather3A_716 : vector<16xf32>
    %mul3A_915 = arith.mulf %gather3A_768, %gather3A_732 : vector<16xf32>
    %add3A_916 = arith.addf %mul3A_914, %mul3A_915 : vector<16xf32>
    %mul3A_917 = arith.mulf %gather3A_772, %gather3A_748 : vector<16xf32>
    %add3A_918 = arith.addf %add3A_916, %mul3A_917 : vector<16xf32>
    %mul3A_919 = arith.mulf %gather3A_776, %gather3A_764 : vector<16xf32>
    %add3A_920 = arith.addf %add3A_918, %mul3A_919 : vector<16xf32>
    %mul3A_921 = arith.mulf %gather3A_764, %gather3A_720 : vector<16xf32>
    %mul3A_922 = arith.mulf %gather3A_768, %gather3A_736 : vector<16xf32>
    %add3A_923 = arith.addf %mul3A_921, %mul3A_922 : vector<16xf32>
    %mul3A_924 = arith.mulf %gather3A_772, %gather3A_752 : vector<16xf32>
    %add3A_925 = arith.addf %add3A_923, %mul3A_924 : vector<16xf32>
    %mul3A_926 = arith.mulf %gather3A_776, %gather3A_768 : vector<16xf32>
    %add3A_927 = arith.addf %add3A_925, %mul3A_926 : vector<16xf32>
    %mul3A_928 = arith.mulf %gather3A_764, %gather3A_724 : vector<16xf32>
    %mul3A_929 = arith.mulf %gather3A_768, %gather3A_740 : vector<16xf32>
    %add3A_930 = arith.addf %mul3A_928, %mul3A_929 : vector<16xf32>
    %mul3A_931 = arith.mulf %gather3A_772, %gather3A_756 : vector<16xf32>
    %add3A_932 = arith.addf %add3A_930, %mul3A_931 : vector<16xf32>
    %mul3A_933 = arith.mulf %gather3A_776, %gather3A_772 : vector<16xf32>
    %add3A_934 = arith.addf %add3A_932, %mul3A_933 : vector<16xf32>
    %mul3A_935 = arith.mulf %gather3A_764, %gather3A_728 : vector<16xf32>
    %mul3A_936 = arith.mulf %gather3A_768, %gather3A_744 : vector<16xf32>
    %add3A_937 = arith.addf %mul3A_935, %mul3A_936 : vector<16xf32>
    %mul3A_938 = arith.mulf %gather3A_772, %gather3A_760 : vector<16xf32>
    %add3A_939 = arith.addf %add3A_937, %mul3A_938 : vector<16xf32>
    %mul3A_940 = arith.mulf %gather3A_776, %gather3A_776 : vector<16xf32>
    %add3A_941 = arith.addf %add3A_939, %mul3A_940 : vector<16xf32>
    %and3A_942 = arith.constant 1 : i32
    %and3A_943 = vector.broadcast %and3A_942 : i32 to vector<16xi32>
    %and3A_944 = arith.andi %shift_right_logical3A_829, %and3A_943 : vector<16xi32>
    %eq3A_945 = arith.constant 1 : i32
    %eq3A_946 = vector.broadcast %eq3A_945 : i32 to vector<16xi32>
    %eq3A_947 = arith.cmpi eq, %and3A_944, %eq3A_946 : vector<16xi32>
    %mul3A_948 = arith.mulf %select_n3A_799, %add3A_836 : vector<16xf32>
    %mul3A_949 = arith.mulf %select_n3A_808, %add3A_864 : vector<16xf32>
    %add3A_950 = arith.addf %mul3A_948, %mul3A_949 : vector<16xf32>
    %mul3A_951 = arith.mulf %select_n3A_817, %add3A_892 : vector<16xf32>
    %add3A_952 = arith.addf %add3A_950, %mul3A_951 : vector<16xf32>
    %mul3A_953 = arith.mulf %select_n3A_826, %add3A_920 : vector<16xf32>
    %add3A_954 = arith.addf %add3A_952, %mul3A_953 : vector<16xf32>
    %mul3A_955 = arith.mulf %select_n3A_799, %add3A_843 : vector<16xf32>
    %mul3A_956 = arith.mulf %select_n3A_808, %add3A_871 : vector<16xf32>
    %add3A_957 = arith.addf %mul3A_955, %mul3A_956 : vector<16xf32>
    %mul3A_958 = arith.mulf %select_n3A_817, %add3A_899 : vector<16xf32>
    %add3A_959 = arith.addf %add3A_957, %mul3A_958 : vector<16xf32>
    %mul3A_960 = arith.mulf %select_n3A_826, %add3A_927 : vector<16xf32>
    %add3A_961 = arith.addf %add3A_959, %mul3A_960 : vector<16xf32>
    %mul3A_962 = arith.mulf %select_n3A_799, %add3A_850 : vector<16xf32>
    %mul3A_963 = arith.mulf %select_n3A_808, %add3A_878 : vector<16xf32>
    %add3A_964 = arith.addf %mul3A_962, %mul3A_963 : vector<16xf32>
    %mul3A_965 = arith.mulf %select_n3A_817, %add3A_906 : vector<16xf32>
    %add3A_966 = arith.addf %add3A_964, %mul3A_965 : vector<16xf32>
    %mul3A_967 = arith.mulf %select_n3A_826, %add3A_934 : vector<16xf32>
    %add3A_968 = arith.addf %add3A_966, %mul3A_967 : vector<16xf32>
    %mul3A_969 = arith.mulf %select_n3A_799, %add3A_857 : vector<16xf32>
    %mul3A_970 = arith.mulf %select_n3A_808, %add3A_885 : vector<16xf32>
    %add3A_971 = arith.addf %mul3A_969, %mul3A_970 : vector<16xf32>
    %mul3A_972 = arith.mulf %select_n3A_817, %add3A_913 : vector<16xf32>
    %add3A_973 = arith.addf %add3A_971, %mul3A_972 : vector<16xf32>
    %mul3A_974 = arith.mulf %select_n3A_826, %add3A_941 : vector<16xf32>
    %add3A_975 = arith.addf %add3A_973, %mul3A_974 : vector<16xf32>
    %select_n3A_976 = arith.select %eq3A_947, %add3A_954, %select_n3A_799 : vector<16xi1>, vector<16xf32>
    %select_n3A_977 = arith.select %eq3A_947, %add3A_961, %select_n3A_808 : vector<16xi1>, vector<16xf32>
    %select_n3A_978 = arith.select %eq3A_947, %add3A_968, %select_n3A_817 : vector<16xi1>, vector<16xf32>
    %select_n3A_979 = arith.select %eq3A_947, %add3A_975, %select_n3A_826 : vector<16xi1>, vector<16xf32>
    %shift_right_logical3A_980 = arith.constant 1 : i32
    %shift_right_logical3A_981 = vector.broadcast %shift_right_logical3A_980 : i32 to vector<16xi32>
    %shift_right_logical3A_982 = arith.shrui %shift_right_logical3A_829, %shift_right_logical3A_981 : vector<16xi32>
    %mul3A_983 = arith.mulf %add3A_836, %add3A_836 : vector<16xf32>
    %mul3A_984 = arith.mulf %add3A_843, %add3A_864 : vector<16xf32>
    %add3A_985 = arith.addf %mul3A_983, %mul3A_984 : vector<16xf32>
    %mul3A_986 = arith.mulf %add3A_850, %add3A_892 : vector<16xf32>
    %add3A_987 = arith.addf %add3A_985, %mul3A_986 : vector<16xf32>
    %mul3A_988 = arith.mulf %add3A_857, %add3A_920 : vector<16xf32>
    %add3A_989 = arith.addf %add3A_987, %mul3A_988 : vector<16xf32>
    %mul3A_990 = arith.mulf %add3A_836, %add3A_843 : vector<16xf32>
    %mul3A_991 = arith.mulf %add3A_843, %add3A_871 : vector<16xf32>
    %add3A_992 = arith.addf %mul3A_990, %mul3A_991 : vector<16xf32>
    %mul3A_993 = arith.mulf %add3A_850, %add3A_899 : vector<16xf32>
    %add3A_994 = arith.addf %add3A_992, %mul3A_993 : vector<16xf32>
    %mul3A_995 = arith.mulf %add3A_857, %add3A_927 : vector<16xf32>
    %add3A_996 = arith.addf %add3A_994, %mul3A_995 : vector<16xf32>
    %mul3A_997 = arith.mulf %add3A_836, %add3A_850 : vector<16xf32>
    %mul3A_998 = arith.mulf %add3A_843, %add3A_878 : vector<16xf32>
    %add3A_999 = arith.addf %mul3A_997, %mul3A_998 : vector<16xf32>
    %mul3A_1000 = arith.mulf %add3A_850, %add3A_906 : vector<16xf32>
    %add3A_1001 = arith.addf %add3A_999, %mul3A_1000 : vector<16xf32>
    %mul3A_1002 = arith.mulf %add3A_857, %add3A_934 : vector<16xf32>
    %add3A_1003 = arith.addf %add3A_1001, %mul3A_1002 : vector<16xf32>
    %mul3A_1004 = arith.mulf %add3A_836, %add3A_857 : vector<16xf32>
    %mul3A_1005 = arith.mulf %add3A_843, %add3A_885 : vector<16xf32>
    %add3A_1006 = arith.addf %mul3A_1004, %mul3A_1005 : vector<16xf32>
    %mul3A_1007 = arith.mulf %add3A_850, %add3A_913 : vector<16xf32>
    %add3A_1008 = arith.addf %add3A_1006, %mul3A_1007 : vector<16xf32>
    %mul3A_1009 = arith.mulf %add3A_857, %add3A_941 : vector<16xf32>
    %add3A_1010 = arith.addf %add3A_1008, %mul3A_1009 : vector<16xf32>
    %mul3A_1011 = arith.mulf %add3A_864, %add3A_836 : vector<16xf32>
    %mul3A_1012 = arith.mulf %add3A_871, %add3A_864 : vector<16xf32>
    %add3A_1013 = arith.addf %mul3A_1011, %mul3A_1012 : vector<16xf32>
    %mul3A_1014 = arith.mulf %add3A_878, %add3A_892 : vector<16xf32>
    %add3A_1015 = arith.addf %add3A_1013, %mul3A_1014 : vector<16xf32>
    %mul3A_1016 = arith.mulf %add3A_885, %add3A_920 : vector<16xf32>
    %add3A_1017 = arith.addf %add3A_1015, %mul3A_1016 : vector<16xf32>
    %mul3A_1018 = arith.mulf %add3A_864, %add3A_843 : vector<16xf32>
    %mul3A_1019 = arith.mulf %add3A_871, %add3A_871 : vector<16xf32>
    %add3A_1020 = arith.addf %mul3A_1018, %mul3A_1019 : vector<16xf32>
    %mul3A_1021 = arith.mulf %add3A_878, %add3A_899 : vector<16xf32>
    %add3A_1022 = arith.addf %add3A_1020, %mul3A_1021 : vector<16xf32>
    %mul3A_1023 = arith.mulf %add3A_885, %add3A_927 : vector<16xf32>
    %add3A_1024 = arith.addf %add3A_1022, %mul3A_1023 : vector<16xf32>
    %mul3A_1025 = arith.mulf %add3A_864, %add3A_850 : vector<16xf32>
    %mul3A_1026 = arith.mulf %add3A_871, %add3A_878 : vector<16xf32>
    %add3A_1027 = arith.addf %mul3A_1025, %mul3A_1026 : vector<16xf32>
    %mul3A_1028 = arith.mulf %add3A_878, %add3A_906 : vector<16xf32>
    %add3A_1029 = arith.addf %add3A_1027, %mul3A_1028 : vector<16xf32>
    %mul3A_1030 = arith.mulf %add3A_885, %add3A_934 : vector<16xf32>
    %add3A_1031 = arith.addf %add3A_1029, %mul3A_1030 : vector<16xf32>
    %mul3A_1032 = arith.mulf %add3A_864, %add3A_857 : vector<16xf32>
    %mul3A_1033 = arith.mulf %add3A_871, %add3A_885 : vector<16xf32>
    %add3A_1034 = arith.addf %mul3A_1032, %mul3A_1033 : vector<16xf32>
    %mul3A_1035 = arith.mulf %add3A_878, %add3A_913 : vector<16xf32>
    %add3A_1036 = arith.addf %add3A_1034, %mul3A_1035 : vector<16xf32>
    %mul3A_1037 = arith.mulf %add3A_885, %add3A_941 : vector<16xf32>
    %add3A_1038 = arith.addf %add3A_1036, %mul3A_1037 : vector<16xf32>
    %mul3A_1039 = arith.mulf %add3A_892, %add3A_836 : vector<16xf32>
    %mul3A_1040 = arith.mulf %add3A_899, %add3A_864 : vector<16xf32>
    %add3A_1041 = arith.addf %mul3A_1039, %mul3A_1040 : vector<16xf32>
    %mul3A_1042 = arith.mulf %add3A_906, %add3A_892 : vector<16xf32>
    %add3A_1043 = arith.addf %add3A_1041, %mul3A_1042 : vector<16xf32>
    %mul3A_1044 = arith.mulf %add3A_913, %add3A_920 : vector<16xf32>
    %add3A_1045 = arith.addf %add3A_1043, %mul3A_1044 : vector<16xf32>
    %mul3A_1046 = arith.mulf %add3A_892, %add3A_843 : vector<16xf32>
    %mul3A_1047 = arith.mulf %add3A_899, %add3A_871 : vector<16xf32>
    %add3A_1048 = arith.addf %mul3A_1046, %mul3A_1047 : vector<16xf32>
    %mul3A_1049 = arith.mulf %add3A_906, %add3A_899 : vector<16xf32>
    %add3A_1050 = arith.addf %add3A_1048, %mul3A_1049 : vector<16xf32>
    %mul3A_1051 = arith.mulf %add3A_913, %add3A_927 : vector<16xf32>
    %add3A_1052 = arith.addf %add3A_1050, %mul3A_1051 : vector<16xf32>
    %mul3A_1053 = arith.mulf %add3A_892, %add3A_850 : vector<16xf32>
    %mul3A_1054 = arith.mulf %add3A_899, %add3A_878 : vector<16xf32>
    %add3A_1055 = arith.addf %mul3A_1053, %mul3A_1054 : vector<16xf32>
    %mul3A_1056 = arith.mulf %add3A_906, %add3A_906 : vector<16xf32>
    %add3A_1057 = arith.addf %add3A_1055, %mul3A_1056 : vector<16xf32>
    %mul3A_1058 = arith.mulf %add3A_913, %add3A_934 : vector<16xf32>
    %add3A_1059 = arith.addf %add3A_1057, %mul3A_1058 : vector<16xf32>
    %mul3A_1060 = arith.mulf %add3A_892, %add3A_857 : vector<16xf32>
    %mul3A_1061 = arith.mulf %add3A_899, %add3A_885 : vector<16xf32>
    %add3A_1062 = arith.addf %mul3A_1060, %mul3A_1061 : vector<16xf32>
    %mul3A_1063 = arith.mulf %add3A_906, %add3A_913 : vector<16xf32>
    %add3A_1064 = arith.addf %add3A_1062, %mul3A_1063 : vector<16xf32>
    %mul3A_1065 = arith.mulf %add3A_913, %add3A_941 : vector<16xf32>
    %add3A_1066 = arith.addf %add3A_1064, %mul3A_1065 : vector<16xf32>
    %mul3A_1067 = arith.mulf %add3A_920, %add3A_836 : vector<16xf32>
    %mul3A_1068 = arith.mulf %add3A_927, %add3A_864 : vector<16xf32>
    %add3A_1069 = arith.addf %mul3A_1067, %mul3A_1068 : vector<16xf32>
    %mul3A_1070 = arith.mulf %add3A_934, %add3A_892 : vector<16xf32>
    %add3A_1071 = arith.addf %add3A_1069, %mul3A_1070 : vector<16xf32>
    %mul3A_1072 = arith.mulf %add3A_941, %add3A_920 : vector<16xf32>
    %add3A_1073 = arith.addf %add3A_1071, %mul3A_1072 : vector<16xf32>
    %mul3A_1074 = arith.mulf %add3A_920, %add3A_843 : vector<16xf32>
    %mul3A_1075 = arith.mulf %add3A_927, %add3A_871 : vector<16xf32>
    %add3A_1076 = arith.addf %mul3A_1074, %mul3A_1075 : vector<16xf32>
    %mul3A_1077 = arith.mulf %add3A_934, %add3A_899 : vector<16xf32>
    %add3A_1078 = arith.addf %add3A_1076, %mul3A_1077 : vector<16xf32>
    %mul3A_1079 = arith.mulf %add3A_941, %add3A_927 : vector<16xf32>
    %add3A_1080 = arith.addf %add3A_1078, %mul3A_1079 : vector<16xf32>
    %mul3A_1081 = arith.mulf %add3A_920, %add3A_850 : vector<16xf32>
    %mul3A_1082 = arith.mulf %add3A_927, %add3A_878 : vector<16xf32>
    %add3A_1083 = arith.addf %mul3A_1081, %mul3A_1082 : vector<16xf32>
    %mul3A_1084 = arith.mulf %add3A_934, %add3A_906 : vector<16xf32>
    %add3A_1085 = arith.addf %add3A_1083, %mul3A_1084 : vector<16xf32>
    %mul3A_1086 = arith.mulf %add3A_941, %add3A_934 : vector<16xf32>
    %add3A_1087 = arith.addf %add3A_1085, %mul3A_1086 : vector<16xf32>
    %mul3A_1088 = arith.mulf %add3A_920, %add3A_857 : vector<16xf32>
    %mul3A_1089 = arith.mulf %add3A_927, %add3A_885 : vector<16xf32>
    %add3A_1090 = arith.addf %mul3A_1088, %mul3A_1089 : vector<16xf32>
    %mul3A_1091 = arith.mulf %add3A_934, %add3A_913 : vector<16xf32>
    %add3A_1092 = arith.addf %add3A_1090, %mul3A_1091 : vector<16xf32>
    %mul3A_1093 = arith.mulf %add3A_941, %add3A_941 : vector<16xf32>
    %add3A_1094 = arith.addf %add3A_1092, %mul3A_1093 : vector<16xf32>
    %and3A_1095 = arith.constant 1 : i32
    %and3A_1096 = vector.broadcast %and3A_1095 : i32 to vector<16xi32>
    %and3A_1097 = arith.andi %shift_right_logical3A_982, %and3A_1096 : vector<16xi32>
    %eq3A_1098 = arith.constant 1 : i32
    %eq3A_1099 = vector.broadcast %eq3A_1098 : i32 to vector<16xi32>
    %eq3A_1100 = arith.cmpi eq, %and3A_1097, %eq3A_1099 : vector<16xi32>
    %mul3A_1101 = arith.mulf %select_n3A_976, %add3A_989 : vector<16xf32>
    %mul3A_1102 = arith.mulf %select_n3A_977, %add3A_1017 : vector<16xf32>
    %add3A_1103 = arith.addf %mul3A_1101, %mul3A_1102 : vector<16xf32>
    %mul3A_1104 = arith.mulf %select_n3A_978, %add3A_1045 : vector<16xf32>
    %add3A_1105 = arith.addf %add3A_1103, %mul3A_1104 : vector<16xf32>
    %mul3A_1106 = arith.mulf %select_n3A_979, %add3A_1073 : vector<16xf32>
    %add3A_1107 = arith.addf %add3A_1105, %mul3A_1106 : vector<16xf32>
    %mul3A_1108 = arith.mulf %select_n3A_976, %add3A_996 : vector<16xf32>
    %mul3A_1109 = arith.mulf %select_n3A_977, %add3A_1024 : vector<16xf32>
    %add3A_1110 = arith.addf %mul3A_1108, %mul3A_1109 : vector<16xf32>
    %mul3A_1111 = arith.mulf %select_n3A_978, %add3A_1052 : vector<16xf32>
    %add3A_1112 = arith.addf %add3A_1110, %mul3A_1111 : vector<16xf32>
    %mul3A_1113 = arith.mulf %select_n3A_979, %add3A_1080 : vector<16xf32>
    %add3A_1114 = arith.addf %add3A_1112, %mul3A_1113 : vector<16xf32>
    %mul3A_1115 = arith.mulf %select_n3A_976, %add3A_1003 : vector<16xf32>
    %mul3A_1116 = arith.mulf %select_n3A_977, %add3A_1031 : vector<16xf32>
    %add3A_1117 = arith.addf %mul3A_1115, %mul3A_1116 : vector<16xf32>
    %mul3A_1118 = arith.mulf %select_n3A_978, %add3A_1059 : vector<16xf32>
    %add3A_1119 = arith.addf %add3A_1117, %mul3A_1118 : vector<16xf32>
    %mul3A_1120 = arith.mulf %select_n3A_979, %add3A_1087 : vector<16xf32>
    %add3A_1121 = arith.addf %add3A_1119, %mul3A_1120 : vector<16xf32>
    %mul3A_1122 = arith.mulf %select_n3A_976, %add3A_1010 : vector<16xf32>
    %mul3A_1123 = arith.mulf %select_n3A_977, %add3A_1038 : vector<16xf32>
    %add3A_1124 = arith.addf %mul3A_1122, %mul3A_1123 : vector<16xf32>
    %mul3A_1125 = arith.mulf %select_n3A_978, %add3A_1066 : vector<16xf32>
    %add3A_1126 = arith.addf %add3A_1124, %mul3A_1125 : vector<16xf32>
    %mul3A_1127 = arith.mulf %select_n3A_979, %add3A_1094 : vector<16xf32>
    %add3A_1128 = arith.addf %add3A_1126, %mul3A_1127 : vector<16xf32>
    %select_n3A_1129 = arith.select %eq3A_1100, %add3A_1107, %select_n3A_976 : vector<16xi1>, vector<16xf32>
    %select_n3A_1130 = arith.select %eq3A_1100, %add3A_1114, %select_n3A_977 : vector<16xi1>, vector<16xf32>
    %select_n3A_1131 = arith.select %eq3A_1100, %add3A_1121, %select_n3A_978 : vector<16xi1>, vector<16xf32>
    %select_n3A_1132 = arith.select %eq3A_1100, %add3A_1128, %select_n3A_979 : vector<16xi1>, vector<16xf32>
    %shift_right_logical3A_1133 = arith.constant 1 : i32
    %shift_right_logical3A_1134 = vector.broadcast %shift_right_logical3A_1133 : i32 to vector<16xi32>
    %shift_right_logical3A_1135 = arith.shrui %shift_right_logical3A_982, %shift_right_logical3A_1134 : vector<16xi32>
    %mul3A_1136 = arith.mulf %add3A_989, %add3A_989 : vector<16xf32>
    %mul3A_1137 = arith.mulf %add3A_996, %add3A_1017 : vector<16xf32>
    %add3A_1138 = arith.addf %mul3A_1136, %mul3A_1137 : vector<16xf32>
    %mul3A_1139 = arith.mulf %add3A_1003, %add3A_1045 : vector<16xf32>
    %add3A_1140 = arith.addf %add3A_1138, %mul3A_1139 : vector<16xf32>
    %mul3A_1141 = arith.mulf %add3A_1010, %add3A_1073 : vector<16xf32>
    %add3A_1142 = arith.addf %add3A_1140, %mul3A_1141 : vector<16xf32>
    %mul3A_1143 = arith.mulf %add3A_989, %add3A_996 : vector<16xf32>
    %mul3A_1144 = arith.mulf %add3A_996, %add3A_1024 : vector<16xf32>
    %add3A_1145 = arith.addf %mul3A_1143, %mul3A_1144 : vector<16xf32>
    %mul3A_1146 = arith.mulf %add3A_1003, %add3A_1052 : vector<16xf32>
    %add3A_1147 = arith.addf %add3A_1145, %mul3A_1146 : vector<16xf32>
    %mul3A_1148 = arith.mulf %add3A_1010, %add3A_1080 : vector<16xf32>
    %add3A_1149 = arith.addf %add3A_1147, %mul3A_1148 : vector<16xf32>
    %mul3A_1150 = arith.mulf %add3A_989, %add3A_1003 : vector<16xf32>
    %mul3A_1151 = arith.mulf %add3A_996, %add3A_1031 : vector<16xf32>
    %add3A_1152 = arith.addf %mul3A_1150, %mul3A_1151 : vector<16xf32>
    %mul3A_1153 = arith.mulf %add3A_1003, %add3A_1059 : vector<16xf32>
    %add3A_1154 = arith.addf %add3A_1152, %mul3A_1153 : vector<16xf32>
    %mul3A_1155 = arith.mulf %add3A_1010, %add3A_1087 : vector<16xf32>
    %add3A_1156 = arith.addf %add3A_1154, %mul3A_1155 : vector<16xf32>
    %mul3A_1157 = arith.mulf %add3A_989, %add3A_1010 : vector<16xf32>
    %mul3A_1158 = arith.mulf %add3A_996, %add3A_1038 : vector<16xf32>
    %add3A_1159 = arith.addf %mul3A_1157, %mul3A_1158 : vector<16xf32>
    %mul3A_1160 = arith.mulf %add3A_1003, %add3A_1066 : vector<16xf32>
    %add3A_1161 = arith.addf %add3A_1159, %mul3A_1160 : vector<16xf32>
    %mul3A_1162 = arith.mulf %add3A_1010, %add3A_1094 : vector<16xf32>
    %add3A_1163 = arith.addf %add3A_1161, %mul3A_1162 : vector<16xf32>
    %mul3A_1164 = arith.mulf %add3A_1017, %add3A_989 : vector<16xf32>
    %mul3A_1165 = arith.mulf %add3A_1024, %add3A_1017 : vector<16xf32>
    %add3A_1166 = arith.addf %mul3A_1164, %mul3A_1165 : vector<16xf32>
    %mul3A_1167 = arith.mulf %add3A_1031, %add3A_1045 : vector<16xf32>
    %add3A_1168 = arith.addf %add3A_1166, %mul3A_1167 : vector<16xf32>
    %mul3A_1169 = arith.mulf %add3A_1038, %add3A_1073 : vector<16xf32>
    %add3A_1170 = arith.addf %add3A_1168, %mul3A_1169 : vector<16xf32>
    %mul3A_1171 = arith.mulf %add3A_1017, %add3A_996 : vector<16xf32>
    %mul3A_1172 = arith.mulf %add3A_1024, %add3A_1024 : vector<16xf32>
    %add3A_1173 = arith.addf %mul3A_1171, %mul3A_1172 : vector<16xf32>
    %mul3A_1174 = arith.mulf %add3A_1031, %add3A_1052 : vector<16xf32>
    %add3A_1175 = arith.addf %add3A_1173, %mul3A_1174 : vector<16xf32>
    %mul3A_1176 = arith.mulf %add3A_1038, %add3A_1080 : vector<16xf32>
    %add3A_1177 = arith.addf %add3A_1175, %mul3A_1176 : vector<16xf32>
    %mul3A_1178 = arith.mulf %add3A_1017, %add3A_1003 : vector<16xf32>
    %mul3A_1179 = arith.mulf %add3A_1024, %add3A_1031 : vector<16xf32>
    %add3A_1180 = arith.addf %mul3A_1178, %mul3A_1179 : vector<16xf32>
    %mul3A_1181 = arith.mulf %add3A_1031, %add3A_1059 : vector<16xf32>
    %add3A_1182 = arith.addf %add3A_1180, %mul3A_1181 : vector<16xf32>
    %mul3A_1183 = arith.mulf %add3A_1038, %add3A_1087 : vector<16xf32>
    %add3A_1184 = arith.addf %add3A_1182, %mul3A_1183 : vector<16xf32>
    %mul3A_1185 = arith.mulf %add3A_1017, %add3A_1010 : vector<16xf32>
    %mul3A_1186 = arith.mulf %add3A_1024, %add3A_1038 : vector<16xf32>
    %add3A_1187 = arith.addf %mul3A_1185, %mul3A_1186 : vector<16xf32>
    %mul3A_1188 = arith.mulf %add3A_1031, %add3A_1066 : vector<16xf32>
    %add3A_1189 = arith.addf %add3A_1187, %mul3A_1188 : vector<16xf32>
    %mul3A_1190 = arith.mulf %add3A_1038, %add3A_1094 : vector<16xf32>
    %add3A_1191 = arith.addf %add3A_1189, %mul3A_1190 : vector<16xf32>
    %mul3A_1192 = arith.mulf %add3A_1045, %add3A_989 : vector<16xf32>
    %mul3A_1193 = arith.mulf %add3A_1052, %add3A_1017 : vector<16xf32>
    %add3A_1194 = arith.addf %mul3A_1192, %mul3A_1193 : vector<16xf32>
    %mul3A_1195 = arith.mulf %add3A_1059, %add3A_1045 : vector<16xf32>
    %add3A_1196 = arith.addf %add3A_1194, %mul3A_1195 : vector<16xf32>
    %mul3A_1197 = arith.mulf %add3A_1066, %add3A_1073 : vector<16xf32>
    %add3A_1198 = arith.addf %add3A_1196, %mul3A_1197 : vector<16xf32>
    %mul3A_1199 = arith.mulf %add3A_1045, %add3A_996 : vector<16xf32>
    %mul3A_1200 = arith.mulf %add3A_1052, %add3A_1024 : vector<16xf32>
    %add3A_1201 = arith.addf %mul3A_1199, %mul3A_1200 : vector<16xf32>
    %mul3A_1202 = arith.mulf %add3A_1059, %add3A_1052 : vector<16xf32>
    %add3A_1203 = arith.addf %add3A_1201, %mul3A_1202 : vector<16xf32>
    %mul3A_1204 = arith.mulf %add3A_1066, %add3A_1080 : vector<16xf32>
    %add3A_1205 = arith.addf %add3A_1203, %mul3A_1204 : vector<16xf32>
    %mul3A_1206 = arith.mulf %add3A_1045, %add3A_1003 : vector<16xf32>
    %mul3A_1207 = arith.mulf %add3A_1052, %add3A_1031 : vector<16xf32>
    %add3A_1208 = arith.addf %mul3A_1206, %mul3A_1207 : vector<16xf32>
    %mul3A_1209 = arith.mulf %add3A_1059, %add3A_1059 : vector<16xf32>
    %add3A_1210 = arith.addf %add3A_1208, %mul3A_1209 : vector<16xf32>
    %mul3A_1211 = arith.mulf %add3A_1066, %add3A_1087 : vector<16xf32>
    %add3A_1212 = arith.addf %add3A_1210, %mul3A_1211 : vector<16xf32>
    %mul3A_1213 = arith.mulf %add3A_1045, %add3A_1010 : vector<16xf32>
    %mul3A_1214 = arith.mulf %add3A_1052, %add3A_1038 : vector<16xf32>
    %add3A_1215 = arith.addf %mul3A_1213, %mul3A_1214 : vector<16xf32>
    %mul3A_1216 = arith.mulf %add3A_1059, %add3A_1066 : vector<16xf32>
    %add3A_1217 = arith.addf %add3A_1215, %mul3A_1216 : vector<16xf32>
    %mul3A_1218 = arith.mulf %add3A_1066, %add3A_1094 : vector<16xf32>
    %add3A_1219 = arith.addf %add3A_1217, %mul3A_1218 : vector<16xf32>
    %mul3A_1220 = arith.mulf %add3A_1073, %add3A_989 : vector<16xf32>
    %mul3A_1221 = arith.mulf %add3A_1080, %add3A_1017 : vector<16xf32>
    %add3A_1222 = arith.addf %mul3A_1220, %mul3A_1221 : vector<16xf32>
    %mul3A_1223 = arith.mulf %add3A_1087, %add3A_1045 : vector<16xf32>
    %add3A_1224 = arith.addf %add3A_1222, %mul3A_1223 : vector<16xf32>
    %mul3A_1225 = arith.mulf %add3A_1094, %add3A_1073 : vector<16xf32>
    %add3A_1226 = arith.addf %add3A_1224, %mul3A_1225 : vector<16xf32>
    %mul3A_1227 = arith.mulf %add3A_1073, %add3A_996 : vector<16xf32>
    %mul3A_1228 = arith.mulf %add3A_1080, %add3A_1024 : vector<16xf32>
    %add3A_1229 = arith.addf %mul3A_1227, %mul3A_1228 : vector<16xf32>
    %mul3A_1230 = arith.mulf %add3A_1087, %add3A_1052 : vector<16xf32>
    %add3A_1231 = arith.addf %add3A_1229, %mul3A_1230 : vector<16xf32>
    %mul3A_1232 = arith.mulf %add3A_1094, %add3A_1080 : vector<16xf32>
    %add3A_1233 = arith.addf %add3A_1231, %mul3A_1232 : vector<16xf32>
    %mul3A_1234 = arith.mulf %add3A_1073, %add3A_1003 : vector<16xf32>
    %mul3A_1235 = arith.mulf %add3A_1080, %add3A_1031 : vector<16xf32>
    %add3A_1236 = arith.addf %mul3A_1234, %mul3A_1235 : vector<16xf32>
    %mul3A_1237 = arith.mulf %add3A_1087, %add3A_1059 : vector<16xf32>
    %add3A_1238 = arith.addf %add3A_1236, %mul3A_1237 : vector<16xf32>
    %mul3A_1239 = arith.mulf %add3A_1094, %add3A_1087 : vector<16xf32>
    %add3A_1240 = arith.addf %add3A_1238, %mul3A_1239 : vector<16xf32>
    %mul3A_1241 = arith.mulf %add3A_1073, %add3A_1010 : vector<16xf32>
    %mul3A_1242 = arith.mulf %add3A_1080, %add3A_1038 : vector<16xf32>
    %add3A_1243 = arith.addf %mul3A_1241, %mul3A_1242 : vector<16xf32>
    %mul3A_1244 = arith.mulf %add3A_1087, %add3A_1066 : vector<16xf32>
    %add3A_1245 = arith.addf %add3A_1243, %mul3A_1244 : vector<16xf32>
    %mul3A_1246 = arith.mulf %add3A_1094, %add3A_1094 : vector<16xf32>
    %add3A_1247 = arith.addf %add3A_1245, %mul3A_1246 : vector<16xf32>
    %and3A_1248 = arith.constant 1 : i32
    %and3A_1249 = vector.broadcast %and3A_1248 : i32 to vector<16xi32>
    %and3A_1250 = arith.andi %shift_right_logical3A_1135, %and3A_1249 : vector<16xi32>
    %eq3A_1251 = arith.constant 1 : i32
    %eq3A_1252 = vector.broadcast %eq3A_1251 : i32 to vector<16xi32>
    %eq3A_1253 = arith.cmpi eq, %and3A_1250, %eq3A_1252 : vector<16xi32>
    %mul3A_1254 = arith.mulf %select_n3A_1129, %add3A_1142 : vector<16xf32>
    %mul3A_1255 = arith.mulf %select_n3A_1130, %add3A_1170 : vector<16xf32>
    %add3A_1256 = arith.addf %mul3A_1254, %mul3A_1255 : vector<16xf32>
    %mul3A_1257 = arith.mulf %select_n3A_1131, %add3A_1198 : vector<16xf32>
    %add3A_1258 = arith.addf %add3A_1256, %mul3A_1257 : vector<16xf32>
    %mul3A_1259 = arith.mulf %select_n3A_1132, %add3A_1226 : vector<16xf32>
    %add3A_1260 = arith.addf %add3A_1258, %mul3A_1259 : vector<16xf32>
    %mul3A_1261 = arith.mulf %select_n3A_1129, %add3A_1149 : vector<16xf32>
    %mul3A_1262 = arith.mulf %select_n3A_1130, %add3A_1177 : vector<16xf32>
    %add3A_1263 = arith.addf %mul3A_1261, %mul3A_1262 : vector<16xf32>
    %mul3A_1264 = arith.mulf %select_n3A_1131, %add3A_1205 : vector<16xf32>
    %add3A_1265 = arith.addf %add3A_1263, %mul3A_1264 : vector<16xf32>
    %mul3A_1266 = arith.mulf %select_n3A_1132, %add3A_1233 : vector<16xf32>
    %add3A_1267 = arith.addf %add3A_1265, %mul3A_1266 : vector<16xf32>
    %mul3A_1268 = arith.mulf %select_n3A_1129, %add3A_1156 : vector<16xf32>
    %mul3A_1269 = arith.mulf %select_n3A_1130, %add3A_1184 : vector<16xf32>
    %add3A_1270 = arith.addf %mul3A_1268, %mul3A_1269 : vector<16xf32>
    %mul3A_1271 = arith.mulf %select_n3A_1131, %add3A_1212 : vector<16xf32>
    %add3A_1272 = arith.addf %add3A_1270, %mul3A_1271 : vector<16xf32>
    %mul3A_1273 = arith.mulf %select_n3A_1132, %add3A_1240 : vector<16xf32>
    %add3A_1274 = arith.addf %add3A_1272, %mul3A_1273 : vector<16xf32>
    %mul3A_1275 = arith.mulf %select_n3A_1129, %add3A_1163 : vector<16xf32>
    %mul3A_1276 = arith.mulf %select_n3A_1130, %add3A_1191 : vector<16xf32>
    %add3A_1277 = arith.addf %mul3A_1275, %mul3A_1276 : vector<16xf32>
    %mul3A_1278 = arith.mulf %select_n3A_1131, %add3A_1219 : vector<16xf32>
    %add3A_1279 = arith.addf %add3A_1277, %mul3A_1278 : vector<16xf32>
    %mul3A_1280 = arith.mulf %select_n3A_1132, %add3A_1247 : vector<16xf32>
    %add3A_1281 = arith.addf %add3A_1279, %mul3A_1280 : vector<16xf32>
    %select_n3A_1282 = arith.select %eq3A_1253, %add3A_1260, %select_n3A_1129 : vector<16xi1>, vector<16xf32>
    %select_n3A_1283 = arith.select %eq3A_1253, %add3A_1267, %select_n3A_1130 : vector<16xi1>, vector<16xf32>
    %select_n3A_1284 = arith.select %eq3A_1253, %add3A_1274, %select_n3A_1131 : vector<16xi1>, vector<16xf32>
    %select_n3A_1285 = arith.select %eq3A_1253, %add3A_1281, %select_n3A_1132 : vector<16xi1>, vector<16xf32>
    %shift_right_logical3A_1286 = arith.constant 1 : i32
    %shift_right_logical3A_1287 = vector.broadcast %shift_right_logical3A_1286 : i32 to vector<16xi32>
    %shift_right_logical3A_1288 = arith.shrui %shift_right_logical3A_1135, %shift_right_logical3A_1287 : vector<16xi32>
    %select_n3A_1289 = arith.select %ge3A_672, %select_n3A_1282, %broadcast_in_dim3A_780 : vector<16xi1>, vector<16xf32>
    %mul3A_1290 = arith.constant 4 : i32
    %mul3A_1291 = vector.broadcast %mul3A_1290 : i32 to vector<16xi32>
    %mul3A_1292 = arith.muli %iota3A_664, %mul3A_1291 : vector<16xi32>
    %add3A_1293 = arith.constant 64 : i32
    %add3A_1294 = vector.broadcast %add3A_1293 : i32 to vector<16xi32>
    %add3A_1295 = arith.addi %add3A_1294, %mul3A_1292 : vector<16xi32>
    %add3A_1296 = arith.constant 0 : i32
    %add3A_1297 = vector.broadcast %add3A_1296 : i32 to vector<16xi32>
    %add3A_1298 = arith.addi %add3A_1295, %add3A_1297 : vector<16xi32>
    tpu.vector_store_idx %arg9[%add3A_1298], %select_n3A_1289 : memref<128xf32, #tpu.memory_space<vmem>>[vector<16xi32>], vector<16xf32>,
    %select_n3A_1299 = arith.select %ge3A_672, %select_n3A_1283, %broadcast_in_dim3A_780 : vector<16xi1>, vector<16xf32>
    %mul3A_1300 = arith.constant 4 : i32
    %mul3A_1301 = vector.broadcast %mul3A_1300 : i32 to vector<16xi32>
    %mul3A_1302 = arith.muli %iota3A_664, %mul3A_1301 : vector<16xi32>
    %add3A_1303 = arith.constant 64 : i32
    %add3A_1304 = vector.broadcast %add3A_1303 : i32 to vector<16xi32>
    %add3A_1305 = arith.addi %add3A_1304, %mul3A_1302 : vector<16xi32>
    %add3A_1306 = arith.constant 1 : i32
    %add3A_1307 = vector.broadcast %add3A_1306 : i32 to vector<16xi32>
    %add3A_1308 = arith.addi %add3A_1305, %add3A_1307 : vector<16xi32>
    tpu.vector_store_idx %arg9[%add3A_1308], %select_n3A_1299 : memref<128xf32, #tpu.memory_space<vmem>>[vector<16xi32>], vector<16xf32>,
    %select_n3A_1309 = arith.select %ge3A_672, %select_n3A_1284, %broadcast_in_dim3A_780 : vector<16xi1>, vector<16xf32>
    %mul3A_1310 = arith.constant 4 : i32
    %mul3A_1311 = vector.broadcast %mul3A_1310 : i32 to vector<16xi32>
    %mul3A_1312 = arith.muli %iota3A_664, %mul3A_1311 : vector<16xi32>
    %add3A_1313 = arith.constant 64 : i32
    %add3A_1314 = vector.broadcast %add3A_1313 : i32 to vector<16xi32>
    %add3A_1315 = arith.addi %add3A_1314, %mul3A_1312 : vector<16xi32>
    %add3A_1316 = arith.constant 2 : i32
    %add3A_1317 = vector.broadcast %add3A_1316 : i32 to vector<16xi32>
    %add3A_1318 = arith.addi %add3A_1315, %add3A_1317 : vector<16xi32>
    tpu.vector_store_idx %arg9[%add3A_1318], %select_n3A_1309 : memref<128xf32, #tpu.memory_space<vmem>>[vector<16xi32>], vector<16xf32>,
    %select_n3A_1319 = arith.select %ge3A_672, %select_n3A_1285, %broadcast_in_dim3A_780 : vector<16xi1>, vector<16xf32>
    %mul3A_1320 = arith.constant 4 : i32
    %mul3A_1321 = vector.broadcast %mul3A_1320 : i32 to vector<16xi32>
    %mul3A_1322 = arith.muli %iota3A_664, %mul3A_1321 : vector<16xi32>
    %add3A_1323 = arith.constant 64 : i32
    %add3A_1324 = vector.broadcast %add3A_1323 : i32 to vector<16xi32>
    %add3A_1325 = arith.addi %add3A_1324, %mul3A_1322 : vector<16xi32>
    %add3A_1326 = arith.constant 3 : i32
    %add3A_1327 = vector.broadcast %add3A_1326 : i32 to vector<16xi32>
    %add3A_1328 = arith.addi %add3A_1325, %add3A_1327 : vector<16xi32>
    tpu.vector_store_idx %arg9[%add3A_1328], %select_n3A_1319 : memref<128xf32, #tpu.memory_space<vmem>>[vector<16xi32>], vector<16xf32>,
    %mul3A_1329 = arith.constant 128 : i32
    %mul3A_1330 = arith.muli %add3A, %mul3A_1329 : i32
    "tpu.region"() ({
      %run_scoped3A = tpu.sem_alloc : memref<!tpu.dma_semaphore, #tpu.memory_space<semaphore_mem>>
      %dma_start3A = tpu.memref_slice %arg5[%mul3A_1330] : memref<2048xf32, #tpu.memory_space<hbm>> -> memref<128xf32, #tpu.memory_space<hbm>>
      %dma_start3A_1331 = tpu.memref_slice %arg5[%mul3A_1330] : memref<2048xf32, #tpu.memory_space<hbm>> -> memref<128xf32, #tpu.memory_space<hbm>>
      tpu.enqueue_dma source(%arg9 : memref<128xf32, #tpu.memory_space<vmem>>) target(%dma_start3A_1331 : memref<128xf32, #tpu.memory_space<hbm>>) target_semaphore(%run_scoped3A : memref<!tpu.dma_semaphore, #tpu.memory_space<semaphore_mem>>)
      %dma_wait3A = tpu.memref_slice %arg5[%mul3A_1330] : memref<2048xf32, #tpu.memory_space<hbm>> -> memref<128xf32, #tpu.memory_space<hbm>>
      %dma_wait3A_1332 = tpu.memref_slice %arg5[%mul3A_1330] : memref<2048xf32, #tpu.memory_space<hbm>> -> memref<128xf32, #tpu.memory_space<hbm>>
      tpu.wait_dma2 semaphore(%run_scoped3A : memref<!tpu.dma_semaphore, #tpu.memory_space<semaphore_mem>>) src(%arg9 : memref<128xf32, #tpu.memory_space<vmem>>) dst(%dma_wait3A_1332 : memref<128xf32, #tpu.memory_space<hbm>>)
      tpu.yield
    }) : () -> ()
    return
  }
}

module attributes {stable_mosaic.version = 14 : i64} {
  func.func @_rates_body(%arg0: memref<8x1xf32, #tpu.memory_space<vmem>>, %arg1: memref<1x32xf32, #tpu.memory_space<vmem>>, %arg2: memref<1x32xf32, #tpu.memory_space<vmem>>, %arg3: memref<64x32xf32, #tpu.memory_space<vmem>>, %arg4: memref<1x64xf32, #tpu.memory_space<vmem>>, %arg5: memref<8x64xi32, #tpu.memory_space<vmem>>) attributes {dimension_semantics = [], scalar_prefetch = 0 : i64, scratch_operands = 0 : i64, tpu.core_type = #tpu.core_type<tc>} {
    %get3A = arith.constant 0 : index
    %get3A_0 = arith.constant 0 : index
    %get3A_1 = vector.load %arg0[%get3A, %get3A_0] : memref<8x1xf32, #tpu.memory_space<vmem>>, vector<8x1xf32>
    %get3A_2 = arith.constant 0 : index
    %get3A_3 = arith.constant 0 : index
    %get3A_4 = vector.load %arg1[%get3A_2, %get3A_3] : memref<1x32xf32, #tpu.memory_space<vmem>>, vector<1x32xf32>
    %mul3A = vector.broadcast %get3A_1 : vector<8x1xf32> to vector<8x32xf32>
    %mul3A_5 = vector.broadcast %get3A_4 : vector<1x32xf32> to vector<8x32xf32>
    %mul3A_6 = arith.mulf %mul3A, %mul3A_5 : vector<8x32xf32>
    %get3A_7 = arith.constant 0 : index
    %get3A_8 = arith.constant 0 : index
    %get3A_9 = vector.load %arg2[%get3A_7, %get3A_8] : memref<1x32xf32, #tpu.memory_space<vmem>>, vector<1x32xf32>
    %add3A = vector.broadcast %get3A_9 : vector<1x32xf32> to vector<8x32xf32>
    %add3A_10 = arith.addf %mul3A_6, %add3A : vector<8x32xf32>
    %max3A = arith.constant 0.000000e+00 : f32
    %max3A_11 = vector.broadcast %max3A : f32 to vector<8x32xf32>
    %max3A_12 = arith.maximumf %add3A_10, %max3A_11 : vector<8x32xf32>
    %get3A_13 = arith.constant 0 : index
    %get3A_14 = arith.constant 0 : index
    %get3A_15 = vector.load %arg3[%get3A_13, %get3A_14] : memref<64x32xf32, #tpu.memory_space<vmem>>, vector<64x32xf32>
    %dot_general3A = arith.constant dense<0.000000e+00> : vector<8x64xf32>
    %dot_general3A_16 = tpu.matmul %max3A_12, %get3A_15, %dot_general3A {dimension_numbers = #tpu.dot_dimension_numbers<[1], [1], [0], [0], [0, 0, 1, 0], [], []>, transpose_lhs_hint = false} : vector<8x32xf32>, vector<64x32xf32>, vector<8x64xf32> -> vector<8x64xf32>
    %get3A_17 = arith.constant 0 : index
    %get3A_18 = arith.constant 0 : index
    %get3A_19 = vector.load %arg4[%get3A_17, %get3A_18] : memref<1x64xf32, #tpu.memory_space<vmem>>, vector<1x64xf32>
    %add3A_20 = vector.broadcast %get3A_19 : vector<1x64xf32> to vector<8x64xf32>
    %add3A_21 = arith.addf %dot_general3A_16, %add3A_20 : vector<8x64xf32>
    %max3A_22 = arith.constant 0.000000e+00 : f32
    %max3A_23 = vector.broadcast %max3A_22 : f32 to vector<8x64xf32>
    %max3A_24 = arith.maximumf %add3A_21, %max3A_23 : vector<8x64xf32>
    %abs3A = math.absf %add3A_21 : vector<8x64xf32>
    %neg3A = arith.constant 0.000000e+00 : f32
    %neg3A_25 = vector.broadcast %neg3A : f32 to vector<8x64xf32>
    %neg3A_26 = arith.subf %neg3A_25, %abs3A : vector<8x64xf32>
    %exp3A = math.exp %neg3A_26 : vector<8x64xf32>
    %log1p3A = math.log1p %exp3A : vector<8x64xf32>
    %add3A_27 = arith.addf %max3A_24, %log1p3A : vector<8x64xf32>
    %mul3A_28 = vector.broadcast %get3A_1 : vector<8x1xf32> to vector<8x64xf32>
    %mul3A_29 = arith.mulf %add3A_27, %mul3A_28 : vector<8x64xf32>
    %add3A_30 = arith.constant 1.000000e+00 : f32
    %add3A_31 = vector.broadcast %add3A_30 : f32 to vector<8x64xf32>
    %add3A_32 = arith.addf %mul3A_29, %add3A_31 : vector<8x64xf32>
    %convert_element_type3A = arith.fptosi %add3A_32 : vector<8x64xf32> to vector<8x64xi32>
    %swap3A = arith.constant 0 : index
    %swap3A_33 = arith.constant 0 : index
    %swap3A_34 = vector.load %arg5[%swap3A, %swap3A_33] : memref<8x64xi32, #tpu.memory_space<vmem>>, vector<8x64xi32>
    tpu.vector_store %arg5[%swap3A, %swap3A_33], %convert_element_type3A {strides = array<i32>} : memref<8x64xi32, #tpu.memory_space<vmem>>, vector<8x64xi32>,
    return
  }
}

</mosaic_0001>

<sc_bundles>
// kernel: kernel.4.cloned.1.call-start
scs
__scs_entry_jumppad:
0x0: {  	(pc) =	sbr.rel $0x88, $3  }
0x1: {  	(tag) =	ssettag $0x0;
	lr =	simm.s32 $0x1  }
0x2: {  	[smem:$0x3F9A] =	sst lr;
	_ =	strace $0xD0000000  }
0x3: {  	_ = 	snop  }
0x4: {  	_ = 	snop  }
0x5: {  	_ = 	snop  }
0x6: {  	_ = 	snop  }
0x7: {  	_ = 	snop  }
__scs_overlays_trampoline_lowered:
0x8: {  	[smem:$0x3FA9] =	sst s0  }
0x9: {  	[smem:$0x3FAA] =	sst s1  }
0xa: {  	[smem:$0x3FAB] =	sst s2  }
0xb: {  	[smem:$0x3FAC] =	sst s3  }
0xc: {  	[smem:$0x3FAD] =	sst s4  }
0xd: {  	[smem:$0x3FAE] =	sst s5  }
0xe: {  	[smem:$0x3FAF] =	sst s6  }
0xf: {  	[smem:$0x3FB0] =	sst s7  }
0x10: {  	[smem:$0x3FB1] =	sst s8  }
0x11: {  	[smem:$0x3FB2] =	sst s9;
	s0 =	simm.s32 @!p0 $0x0  }
0x12: {  	s1 =	sld [smem:$0x3F98];
	s0 =	simm.s32 @p0 $0x1  }
0x13: {  	[smem:$0x3FB3] =	sst s0;
	s0 =	simm.s32 @!p1 $0x0  }
0x14: {  	s2 =	sld [smem:$0x3F97];
	s0 =	simm.s32 @p1 $0x1  }
0x15: {  	[smem:$0x3FB4] =	sst s0;
	s0 =	simm.s32 @!p2 $0x0  }
0x16: {  	s3 =	sld [smem:$0x3FDB];
	s0 =	simm.s32 @p2 $0x1  }
0x17: {  	s4 =	simm.s32 $0x1BF5;
	[smem:$0x3FB6] =	sst s0  }
0x18: {  	s0 =	sld [smem:$0x3F99];
	_ =	swait.ge [sflag:s4], $0x0  }
0x19: {  	s7 =	sld [smem:$0x3F9A]  }
0x1a: {  	s8 =	sadd.s32 $0xFFFFE003, lr  }
0x1b: {  	s9 =	sadd.s32 $0xFFFFFEF7, lr;
	s5 =	simm.s32 $0xFFFFFFFF;
	p2 =	slt.u32 s8, $0xFFFFF086  }
0x1c: {  	p1 =	slt.u32 s9, $0xF7A;
	s5 =	simm.s32 @!p2 $0x0  }
0x1d: {  	s5 =	simm.s32 @p1 $0x1;
	p0 =	seq.s32 s7, s2  }
0x1e: {  	s7 =	smul.u32 @!p0 $0xF7A, s2;
	p2 =	seq.s32 @!p0 s5, $0x0  }
0x1f: {  	s9 =	smul.u32 $0xF7A, s1;
	s8 =	simm.s32 @!p0 $0x1BF5;
	p2 =	por !p2, p0  }
0x20: {  	[sflag:s8] =	ssyncset.s32 @!p0 $0xFFFFF086;
	s6 =	sadd.s32 @!p0 s3, s7;
	s7 =	simm.s32 @!p0 $0x108  }
0x21: {  	s3 =	sadd.s32 s3, s9;
	s6 =	sadd.s32 @!p0 $0x88, s6;
	s7 =	simm.s32 @p2 $0x1082  }
0x22: {  	[simem:s7], [sflag:s8] =	dma.local @!p0 [hbm:s6], $0xF7A  }
0x23: {  	s9 =	sor.u32 $0xD0000000, s2;
	s6 =	simm.s32 $0x108;
	_ =	swait.ge @!p0 [sflag:s8], $0x0  }
0x24: {  	s3 =	sadd.s32 $0x88, s3;
	s6 =	simm.s32 @!p1 $0x1082;
	[sflag:s4] =	ssyncset.s32 $0xFFFFF086  }
0x25: {  	[simem:s6], [sflag:s4] =	dma.local [hbm:s3], $0xF7A  }
0x26: {  	[smem:$0x3F9A] =	sst s1;
	(tag) =	ssettag s2;
	_ =	strace s9  }
0x27: {  	s1 =	sld [smem:$0x3FAA]  }
0x28: {  	s2 =	sld [smem:$0x3FAB]  }
0x29: {  	s4 =	sld [smem:$0x3FAD]  }
0x2a: {  	p0 =	seq.s32 s5, $0x0;
	s5 =	sld [smem:$0x3FAE]  }
0x2b: {  	s6 =	sld [smem:$0x3FAF]  }
0x2c: {  	s7 =	sld [smem:$0x3FB0]  }
0x2d: {  	s3 =	simm.s32 $0x108;
	s8 =	sld [smem:$0x3FB1]  }
0x2e: {  	s3 =	simm.s32 @!p0 $0x1082;
	s9 =	sld [smem:$0x3FB2]  }
0x2f: {  	lr =	sadd.s32 s0, s3;
	s0 =	sld [smem:$0x3FA9]  }
0x30: {  	s3 =	sld [smem:$0x3FAC]  }
0x31: {  	[smem:$0x3FB5] =	sst s10  }
0x32: {  	s10 =	sld [smem:$0x3FB3];
	_ =	sdelay $0x3  }
0x33: {  	p0 =	seq.s32 s10, $0x1;
	s10 =	sld [smem:$0x3FB5];
	_ =	sdelay $0x3  }
0x34: {  	[smem:$0x3FB5] =	sst s10  }
0x35: {  	s10 =	sld [smem:$0x3FB4];
	_ =	sdelay $0x3  }
0x36: {  	p1 =	seq.s32 s10, $0x1;
	s10 =	sld [smem:$0x3FB5];
	_ =	sdelay $0x3  }
0x37: {  	[smem:$0x3FB5] =	sst s10  }
0x38: {  	s10 =	sld [smem:$0x3FB6]  }
0x39: {  	_ = 	snop;
	(pc) =	sbr.ind lr, $3  }
0x3a: {  	_ = 	snop  }
0x3b: {  	_ = 	snop  }
0x3c: {  	p2 =	seq.s32 s10, $0x1;
	s10 =	sld [smem:$0x3FB5]  }
0x3d: {  	_ =	shalt  }
0x3e: {  	_ =	shalt  }
0x3f: {  	_ =	shalt  }
0x40: {  	_ =	shalt  }
0x41: {  	_ =	shalt  }
0x42: {  	_ =	shalt  }
0x43: {  	_ =	shalt  }
0x44: {  	_ =	shalt  }
0x45: {  	_ =	shalt  }
0x46: {  	_ =	shalt  }
0x47: {  	_ =	shalt  }
0x48: {  	_ =	shalt  }
0x49: {  	_ =	shalt  }
0x4a: {  	_ =	shalt  }
0x4b: {  	_ =	shalt  }
0x4c: {  	_ =	shalt  }
0x4d: {  	_ =	shalt  }
0x4e: {  	_ =	shalt  }
0x4f: {  	_ =	shalt  }
0x50: {  	_ =	shalt  }
0x51: {  	_ =	shalt  }
0x52: {  	_ =	shalt  }
0x53: {  	_ =	shalt  }
0x54: {  	_ =	shalt  }
0x55: {  	_ =	shalt  }
0x56: {  	_ =	shalt  }
0x57: {  	_ =	shalt  }
0x58: {  	_ =	shalt  }
0x59: {  	_ =	shalt  }
0x5a: {  	_ =	shalt  }
0x5b: {  	_ =	shalt  }
0x5c: {  	_ =	shalt  }
0x5d: {  	_ =	shalt  }
0x5e: {  	_ =	shalt  }
0x5f: {  	_ =	shalt  }
0x60: {  	_ =	shalt  }
0x61: {  	_ =	shalt  }
0x62: {  	_ =	shalt  }
0x63: {  	_ =	shalt  }
0x64: {  	_ =	shalt  }
0x65: {  	_ =	shalt  }
0x66: {  	_ =	shalt  }
0x67: {  	_ =	shalt  }
0x68: {  	_ =	shalt  }
0x69: {  	_ =	shalt  }
0x6a: {  	_ =	shalt  }
0x6b: {  	_ =	shalt  }
0x6c: {  	_ =	shalt  }
0x6d: {  	_ =	shalt  }
0x6e: {  	_ =	shalt  }
0x6f: {  	_ =	shalt  }
0x70: {  	_ =	shalt  }
0x71: {  	_ =	shalt  }
0x72: {  	_ =	shalt  }
0x73: {  	_ =	shalt  }
0x74: {  	_ =	shalt  }
0x75: {  	_ =	shalt  }
0x76: {  	_ =	shalt  }
0x77: {  	_ =	shalt  }
0x78: {  	_ =	shalt  }
0x79: {  	_ =	shalt  }
0x7a: {  	_ =	shalt  }
0x7b: {  	_ =	shalt  }
0x7c: {  	_ =	shalt  }
0x7d: {  	_ =	shalt  }
0x7e: {  	_ =	shalt  }
0x7f: {  	_ =	shalt  }
0x80: {  	_ =	shalt  }
0x81: {  	_ =	shalt  }
0x82: {  	_ =	shalt  }
0x83: {  	_ =	shalt  }
0x84: {  	_ =	shalt  }
0x85: {  	_ =	shalt  }
0x86: {  	_ =	shalt  }
0x87: {  	_ =	shalt  }
.Lfunc_end0:
.L_simem_size_0:
called_computation_lowered:
.L_overlay_start_0:
0x88: {  	s0 =	sld [smem:$0x3FD9]  }
0x89: {  	s1 =	sld [smem:$0x3FFE];
	_ =	sdelay $0x3  }
0x8a: {  	s0 =	sadd.s32 s1, s0  }
0x8b: {  	[smem:$0x3FC1] =	sst s0  }
0x8c: {  	_ = 	snop  }
0x8d: {  	s0 =	sld [smem:$0x3FD0];
	(tm) =	ssettm $0x1  }
0x8e: {  	s16 =	sld [smem:$0x3FFB];
	_ =	sdelay $0x3  }
0x8f: {  	_ =	strace s16  }
0x90: {  	s1 =	sld [smem:$0x3FFC];
	_ =	sdelay $0x3  }
0x91: {  	_ =	strace s1  }
0x92: {  	s1 =	sld [smem:$0x3FFD];
	_ =	sdelay $0x3  }
0x93: {  	_ =	strace s1  }
0x94: {  	_ =	strace $0x8FFFFFFF  }
0x95: {  	s17 =	sld [smem:$0x3FDB];
	_ =	sdelay $0x1  }
0x96: {  	s2 =	simm.s32 $_scs_section_size  }
0x97: {  	s3 =	simm.s32 $_size__tile_overlayer_lowered;
	s4 =	simm.s32 $_tile_overlayer_lowered  }
0x98: {  	s20 =	simm.s32 $0x1BFF;
	s19 =	sshll.u32 s4, $0x1;
	s1 =	sadd.s32 s2, s17  }
0x99: {  	s5 =	simm.s32 $0x0;
	s18 =	sshll.u32 s3, $0x1;
	s3 =	sadd.s32 s19, s1  }
0x9a: {  	[timem:s5], [sflag:s20] =	dma.local [hbm:s3], s18  }
0x9b: {  	_ =	swait.ge [sflag:s20], s18  }
0x9c: {  	s2 =	ssub.s32 $0x0, s18;
	[sflag:s20] =	ssyncset.done $0x0  }
0x9d: {  	[sflag:s20] =	ssyncadd.s32 s2;
	_ =	sdelay $0x1  }
0x9e: {  	s21 =	simm.s32 $0x1B8B  }
0x9f: {  	_ =	swait.ge [sflag:s21], $0x1  }
0xa0: {  	[sflag:s21] =	ssyncset.done $0x0  }
0xa1: {  	s23 =	simm.s32 $0x1B8E;
	s22 =	sld [smem:$0x3FFE];
	[sflag:s21] =	ssyncadd.s32 $0xFFFFFFFF  }
0xa2: {  	s24 =	simm.s32 $execute0_lowered;
	[smem:$0x3FD2] =	sst s23  }
0xa3: {  	s3 =	sshll.u32 s24, $0x1;
	_ =	strace $0x80000046;
	[dreg:$0x1] =	wrdreg $0xFFFFFFFF  }
0xa4: {  	s25 =	simm.s32 $_size_execute0_lowered;
	s1 =	sadd.s32 s1, s3;
	[dreg:$0x0] =	wrdreg $0x0  }
0xa5: {  	s3 =	sshll.u32 s25, $0x1;
	[dreg:$0x2] =	wrdreg s1  }
0xa6: {  	[dreg:$0x3] =	wrdreg s3  }
0xa7: {  	[dreg:$0x4] =	wrdreg $0xC0  }
0xa8: {  	_ =	task [dreg:s5], $0x5FFFF  }
0xa9: {  	[dreg:$0x1] =	wrdreg $0xFFFFFFFF  }
0xaa: {  	[dreg:$0x0] =	wrdreg $0x60  }
0xab: {  	[dreg:$0x2] =	wrdreg s22  }
0xac: {  	[dreg:$0x3] =	wrdreg s0  }
0xad: {  	[dreg:$0x4] =	wrdreg $0x9  }
0xae: {  	_ =	task.clear_ibuf [dreg:s5], $0x5FFFF;
	_ =	strace $0x90000046  }
0xaf: {  	s26 =	simm.s32 $0x9;
	_ =	strace $0x80000048  }
0xb0: {  	_ =	swait.ge [sflag:s26], $0x1  }
0xb1: {  	[sflag:s26] =	ssyncadd.s32 $0xFFFFFFFF  }
0xb2: {  	_ =	strace $0x90000048  }
0xb3: {  	_ =	sfence  }
0xb4: {  	s28 =	sld [smem:$0x0];
	_ =	sdelay $0x1  }
0xb5: {  	s29 =	srdreg.scid  }
0xb6: {  	s30 =	sshll.u32 s29, $0xD;
	s31 =	sshrl.u32 s29, $0x2  }
0xb7: {  	s2 =	sand.u32 $0x4000, s30;
	s1 =	sand.u32 $0x1, s29;
	s0 =	sadd.s32 s31, s28  }
0xb8: {  	s1 =	sor.u32 s2, s1;
	s0 =	sshll.u32 s0, $0x11  }
0xb9: {  	s0 =	sor.u32 s0, s1  }
0xba: {  	s0 =	sadd.s32 $0x8F2B, s0  }
0xbb: {  	[sflag:s0] =	ssyncadd.remote.s32 $0x1  }
0xbc: {  	_ =	sfence.sel $0xFFFF  }
0xbd: {  	[dreg:$0x0] =	wrdreg $0xFFFFFFFF;
	(pc) =	sbr.abs _section_cstart, $3  }
0xbe: {  	[dreg:$0x1] =	wrdreg $0xFFFFFFFF  }
0xbf: {  	_ =	task.clear_ibuf [dreg:s5], $0x2FFFF;
	_ =	strace $0x9FFFFFFF  }
0xc0: {  	(tm) =	ssettm $0x7FFFFFFF  }
0xc1: {  	_ =	shalt  }
tec
execute0_lowered:
.L_overlay_start_1:
0x0: {  	(tag) =	ssettag $0x1  }
0x1: {  	s3 =	rddreg [dreg:$0x0]  }
0x2: {  	s1 =	rddreg [dreg:$0x1];
	s2 =	simm.s32 $0x0  }
0x3: {  	[smem:$0x7FF] =	sst s2  }
0x4: {  	s0 =	rddreg [dreg:$0x2];
	s4 =	sadd.s32 $0x1200, s3;
	_ =	strace $0x80000047  }
0x5: {  	[tilespmem:s2], [sflag:$0x1] =	stream.linear.gather [hbm4b:s4+s2], $0x400, $0x38;
	[tilespmem:$0x880] =	vst v63  }
0x6: {  	s23 =	simm.s32 $0x400;
	s5 =	sadd.s32 $0x1000, s3  }
0x7: {  	[tilespmem:s23], [sflag:$0x2] =	stream.linear.gather [hbm4b:s5+s2], $0x200, $0x38;
	[tilespmem:$0x880] =	vst v63  }
0x8: {  	s24 =	simm.s32 $0x600;
	s6 =	simm.s32 $0x3;
	s3 =	sadd.s32 $0xE00, s3  }
0x9: {  	[tilespmem:s24], [sflag:$0x3] =	stream.linear.gather [hbm4b:s3+s2], $0x200, $0x38;
	[tilespmem:$0x880] =	vst v63  }
0xa: {  	s25 =	stileid.u32;
	v2 =	vlaneseq.u32;
	_ =	swait.ge [sflag:s6], $0x200  }
0xb: {  	s8 =	sshll.u32 s25, $0x5;
	v0 =	vadd.s32 $0xFFFFFFFD, v2;
	[sflag:s6] =	ssyncset.done $0x0  }
0xc: {  	s26 =	simm.s32 $0x2;
	v4 =	vadd.s32 $0xFFFFFFFE, v2;
	v1 =	vadd.s32 s8, v0;
	[sflag:s6] =	ssyncadd.s32 $0xFFFFFE00  }
0xd: {  	v3 =	vadd.s32 s8, v4;
	vm0 =	vgt.s32 v1, $0x0;
	_ =	swait.ge [sflag:s26], $0x200  }
0xe: {  	vm8 =	vgt.s32 v3, $0x0;
	v5 =	vnsel vm0, $0x0, v1;
	v1 =	vadd.s32 $0xFFFFFFFF, v2;
	[sflag:s26] =	ssyncset.done $0x0  }
0xf: {  	s28 =	simm.s32 $0x1;
	v3 =	vnsel vm8, $0x0, v3;
	v6 =	vadd.s32 s8, v1;
	[sflag:s26] =	ssyncadd.s32 $0xFFFFFE00  }
0x10: {  	vm9 =	vgt.s32 v6, $0x0;
	_ =	swait.ge [sflag:s28], $0x400  }
0x11: {  	v6 =	vnsel vm9, $0x0, v6;
	[sflag:s28] =	ssyncset.done $0x0  }
0x12: {  	[sflag:s28] =	ssyncadd.s32 $0xFFFFFC00  }
0x13: {  	v5 =	vld.idx.msk [tilespmem:v5+s24+$0x0], $0xffff  }
0x14: {  	v3 =	vld.idx.msk [tilespmem:v3+s24+$0x0], $0xffff;
	_ =	sdelay $0x1  }
0x15: {  	v10 =	vld.idx.msk [tilespmem:v6+s24+$0x0], $0xffff;
	_ =	sdelay $0x2  }
0x16: {  	v5 =	vshll.u32 v5, $0x4;
	v3 =	vshll.u32 v3, $0x2  }
0x17: {  	v44 =	vmov s8;
	v3 =	vadd.s32 v5, v3  }
0x18: {  	v45 =	vand.u32 $0x1C0, v44;
	v3 =	vadd.s32 v10, v3  }
0x19: {  	v5 =	vadd.s32 v45, v3  }
0x1a: {  	v7 =	vshll.u32 v3, $0x4  }
0x1b: {  	v46 =	vor.u32 $0x1, v7  }
0x1c: {  	v8 =	vor.u32 $0x2, v7  }
0x1d: {  	v9 =	vor.u32 $0x3, v7  }
0x1e: {  	v47 =	vor.u32 $0x4, v7;
	v3 =	vld.idx.msk [tilespmem:v5+s23+$0x0], $0xffff  }
0x1f: {  	v11 =	vor.u32 $0x5, v7;
	v14 =	vld.idx.msk [tilespmem:v7+s2+$0x0], $0xffff  }
0x20: {  	v12 =	vshll.u32 v10, $0x2;
	v49 =	vor.u32 $0x8, v7;
	v13 =	vld.idx.msk [tilespmem:v46+s2+$0x0], $0xffff  }
0x21: {  	v15 =	vadd.s32 v12, v7;
	v50 =	vor.u32 $0x6, v7;
	v12 =	vld.idx.msk [tilespmem:v8+s2+$0x0], $0xffff  }
0x22: {  	v17 =	vor.u32 $0x9, v7;
	v18 =	vld.idx.msk [tilespmem:v9+s2+$0x0], $0xffff  }
0x23: {  	v23 =	vor.u32 $0xA, v7;
	v19 =	vld.idx.msk [tilespmem:v47+s2+$0x0], $0xffff  }
0x24: {  	s7 =	sor.u32 $0x10, s8;
	v26 =	vor.u32 $0xD, v7;
	v20 =	vld.idx.msk [tilespmem:v11+s2+$0x0], $0xffff  }
0x25: {  	v4 =	vadd.s32 s7, v4;
	v22 =	vor.u32 $0x7, v7;
	v27 =	vld.idx.msk [tilespmem:v49+s2+$0x0], $0xffff  }
0x26: {  	vm15 =	vgt.s32 v4, $0x0;
	v6 =	vadd.s32 s7, v0;
	v24 =	vor.u32 $0xB, v7;
	v30 =	vld.idx.msk [tilespmem:v50+s2+$0x0], $0xffff  }
0x27: {  	v4 =	vnsel vm15, $0x0, v4;
	vm10 =	vgt.s32 v6, $0x0;
	v28 =	vor.u32 $0xE, v7;
	v32 =	vld.idx.msk [tilespmem:v17+s2+$0x0], $0xffff  }
0x28: {  	v0 =	vimm.f32 $0.0e+00;
	v6 =	vnsel vm10, $0x0, v6;
	v29 =	vor.u32 $0xF, v7;
	v33 =	vld.idx.msk [tilespmem:v23+s2+$0x0], $0xffff  }
0x29: {  	vm1 =	veq.s32 v10, $0x0;
	vm2 =	veq.s32 v10, $0x1;
	v25 =	vor.u32 $0xC, v7;
	v34 =	vld.idx.msk [tilespmem:v26+s2+$0x0], $0xffff  }
0x2a: {  	vm12 =	veq.s32 v10, $0x2;
	vm13 =	veq.s32 v10, $0x3;
	v22 =	vld.idx.msk [tilespmem:v22+s2+$0x0], $0xffff;
	v55 =	vmul.f32 v14, v14  }
0x2b: {  	v48 =	vor.u32 $0x1, v15;
	v31 =	vld.idx.msk [tilespmem:v24+s2+$0x0], $0xffff;
	v26 =	vmul.f32 v27, v12;
	v57 =	vmul.f32 v13, v14  }
0x2c: {  	v16 =	vor.u32 $0x2, v15;
	v28 =	vld.idx.msk [tilespmem:v28+s2+$0x0], $0xffff;
	v58 =	vmul.f32 v20, v13;
	v59 =	vmul.f32 v12, v14  }
0x2d: {  	v52 =	vsel vm1, $0x3F800000, v0;
	v29 =	vld.idx.msk [tilespmem:v29+s2+$0x0], $0xffff;
	v60 =	vmul.f32 v30, v13;
	v62 =	vmul.f32 v32, v12  }
0x2e: {  	v53 =	vsel vm2, $0x3F800000, v0;
	v36 =	vld.idx.msk [tilespmem:v25+s2+$0x0], $0xffff;
	v63 =	vmul.f32 v34, v18;
	v40 =	vmul.f32 v33, v12  }
0x2f: {  	v54 =	vsel vm12, $0x3F800000, v0;
	v21 =	vld.idx.msk [tilespmem:v15+s2+$0x0], $0xffff;
	v41 =	vmul.f32 v18, v14;
	v42 =	vmul.f32 v22, v13  }
0x30: {  	v35 =	vor.u32 $0x3, v15;
	v8 =	vld.idx.msk [tilespmem:v48+s2+$0x0], $0xffff;
	v43 =	vmul.f32 v19, v14;
	v44 =	vmul.f32 v20, v19  }
0x31: {  	v5 =	vor.u32 s8, v2;
	v16 =	vld.idx.msk [tilespmem:v16+s2+$0x0], $0xffff;
	v37 =	vmul.f32 v28, v18;
	v38 =	vmul.f32 v31, v12  }
0x32: {  	v2 =	vmul.u32 $0x4, v2;
	v46 =	vmul.f32 v27, v30;
	v48 =	vmul.f32 v29, v18  }
0x33: {  	v51 =	vand.u32 $0x1, v3;
	v49 =	vmul.f32 v36, v22;
	v50 =	vmul.f32 v20, v20  }
0x34: {  	vm11 =	veq.s32 v51, $0x0;
	v51 =	vmul.f32 v19, v12;
	v39 =	vmul.f32 v22, v20  }
0x35: {  	v12 =	vmul.f32 v36, v12;
	v9 =	vsel vm11, v52, v21;
	v8 =	vsel vm11, v53, v8  }
0x36: {  	v21 =	vmul.f32 v19, v13;
	v7 =	vsel vm11, v54, v16;
	v52 =	vmul.f32 v30, v20  }
0x37: {  	v53 =	vmul.f32 v32, v30;
	v54 =	vmul.f32 v33, v30;
	v61 =	vadd.f32 v58, v57  }
0x38: {  	v15 =	vadd.f32 v60, v59;
	v57 =	vmul.f32 v28, v22;
	v58 =	vmul.f32 v31, v30  }
0x39: {  	v23 =	vadd.f32 v42, v41;
	v59 =	vmul.f32 v33, v27;
	v60 =	vmul.f32 v27, v13  }
0x3a: {  	v45 =	vadd.f32 v44, v43;
	v41 =	vmul.f32 v32, v20;
	v42 =	vmul.f32 v33, v32  }
0x3b: {  	v43 =	vmul.f32 v33, v33;
	v13 =	vmul.f32 v36, v13;
	v56 =	vadd.f32 v21, v55  }
0x3c: {  	v55 =	vmul.f32 v19, v18;
	v21 =	vadd.f32 v50, v21;
	v10 =	vadd.f32 v62, v61  }
0x3d: {  	v50 =	vmul.f32 v32, v22;
	v15 =	vadd.f32 v40, v15;
	v47 =	vadd.f32 v38, v23  }
0x3e: {  	v16 =	vadd.f32 v46, v45;
	v40 =	vmul.f32 v32, v19;
	v61 =	vmul.f32 v29, v22  }
0x3f: {  	v23 =	vadd.f32 v52, v51;
	v62 =	vmul.f32 v36, v31;
	v46 =	vmul.f32 v34, v22  }
0x40: {  	v41 =	vadd.f32 v41, v60;
	v52 =	vmul.f32 v28, v31;
	v19 =	vmul.f32 v34, v19  }
0x41: {  	v60 =	vsel vm13, $0x3F800000, v0;
	v24 =	vadd.f32 v26, v56;
	v56 =	vmul.f32 v27, v14  }
0x42: {  	v38 =	vadd.f32 v39, v55;
	v45 =	vadd.f32 v53, v21;
	v14 =	vmul.f32 v36, v14  }
0x43: {  	v55 =	vmul.f32 v34, v30;
	v10 =	vadd.f32 v63, v10;
	v11 =	vadd.f32 v37, v15  }
0x44: {  	v17 =	vadd.f32 v48, v47;
	v15 =	vadd.f32 v49, v16;
	v63 =	vmul.f32 v36, v18  }
0x45: {  	v16 =	vadd.f32 v54, v23;
	v48 =	vmul.f32 v34, v31;
	v18 =	vmul.f32 v27, v18  }
0x46: {  	v49 =	vadd.f32 v53, v26;
	v53 =	vmul.f32 v31, v33;
	v31 =	vmul.f32 v29, v31  }
0x47: {  	v47 =	vadd.f32 v42, v41;
	v27 =	vmul.f32 v28, v27;
	v54 =	vmul.f32 v34, v20  }
0x48: {  	v42 =	vand.u32 $0x2, v3;
	v37 =	vadd.f32 v40, v56;
	v38 =	vadd.f32 v58, v38  }
0x49: {  	v25 =	vadd.f32 v46, v45;
	v14 =	vadd.f32 v19, v14;
	v56 =	vmul.f32 v29, v36  }
0x4a: {  	v58 =	vmul.f32 v28, v32;
	v12 =	vadd.f32 v55, v12;
	v16 =	vadd.f32 v57, v16  }
0x4b: {  	v36 =	vmul.f32 v29, v29;
	v26 =	vadd.f32 v63, v24;
	v51 =	vadd.f32 v43, v49  }
0x4c: {  	vm14 =	veq.s32 v42, $0x0;
	v22 =	vadd.f32 v48, v47;
	v18 =	vadd.f32 v50, v18  }
0x4d: {  	v13 =	vadd.f32 v54, v13;
	v41 =	vmul.f32 v9, v10;
	v45 =	vmul.f32 v9, v11  }
0x4e: {  	v47 =	vmul.f32 v17, v9;
	v37 =	vadd.f32 v59, v37;
	v23 =	vadd.f32 v61, v38  }
0x4f: {  	v59 =	vmul.f32 v28, v33;
	v61 =	vadd.f32 v46, v63;
	v63 =	vmul.f32 v29, v28  }
0x50: {  	v14 =	vadd.f32 v27, v14;
	v38 =	vmul.f32 v8, v15;
	v43 =	vmul.f32 v8, v25  }
0x51: {  	v24 =	vadd.f32 v52, v51;
	v18 =	vadd.f32 v53, v18;
	v44 =	vmul.f32 v7, v22  }
0x52: {  	v13 =	vadd.f32 v58, v13;
	v46 =	vmul.f32 v8, v16;
	v54 =	vmul.f32 v26, v26  }
0x53: {  	v57 =	vld.idx.msk [tilespmem:v35+s2+$0x0], $0xffff;
	v55 =	vmul.f32 v10, v26;
	v58 =	vmul.f32 v16, v10;
	v21 =	vadd.f32 v62, v37  }
0x54: {  	v33 =	vadd.f32 v56, v14;
	v62 =	vmul.f32 v29, v34;
	v37 =	vmul.f32 v9, v26  }
0x55: {  	v12 =	vadd.f32 v59, v12;
	v48 =	vmul.f32 v8, v23;
	v56 =	vmul.f32 v25, v10  }
0x56: {  	v14 =	vadd.f32 v52, v61;
	v59 =	vmul.f32 v11, v22;
	v42 =	vmul.f32 v23, v10  }
0x57: {  	v31 =	vadd.f32 v31, v18;
	v49 =	vmul.f32 v7, v24;
	v18 =	vmul.f32 v10, v15  }
0x58: {  	v32 =	vadd.f32 v62, v13;
	v27 =	vsel vm11, v60, v57;
	v35 =	vadd.f32 v63, v12  }
0x59: {  	v34 =	vadd.f32 v36, v14;
	v39 =	vadd.f32 v38, v37;
	v40 =	vmul.f32 v7, v21  }
0x5a: {  	v14 =	vadd.f32 v43, v41;
	v57 =	vmul.f32 v11, v26;
	v29 =	vmul.f32 v11, v21  }
0x5b: {  	v13 =	vadd.f32 v46, v45;
	v60 =	vmul.f32 v24, v11;
	v63 =	vmul.f32 v17, v26  }
0x5c: {  	v19 =	vadd.f32 v48, v47;
	v43 =	vmul.f32 v26, v15;
	v48 =	vmul.f32 v16, v21  }
0x5d: {  	v30 =	vmul.f32 v27, v33;
	v50 =	vmul.f32 v7, v31;
	v20 =	vadd.f32 v18, v54  }
0x5e: {  	v46 =	vmul.f32 v31, v11;
	v54 =	vmul.f32 v23, v25;
	v12 =	vadd.f32 v40, v39  }
0x5f: {  	v14 =	vadd.f32 v44, v14;
	v51 =	vmul.f32 v27, v32;
	v52 =	vmul.f32 v27, v35  }
0x60: {  	v13 =	vadd.f32 v49, v13;
	v53 =	vmul.f32 v27, v34;
	v61 =	vmul.f32 v32, v17  }
0x61: {  	v62 =	vmul.f32 v35, v17;
	v44 =	vmul.f32 v25, v15;
	v45 =	vadd.f32 v42, v63  }
0x62: {  	v47 =	vmul.f32 v34, v17;
	v49 =	vmul.f32 v33, v23;
	v19 =	vadd.f32 v50, v19  }
0x63: {  	v50 =	vmul.f32 v25, v25;
	v12 =	vadd.f32 v30, v12;
	v14 =	vadd.f32 v51, v14  }
0x64: {  	v36 =	vadd.f32 v52, v13;
	v51 =	vmul.f32 v11, v15;
	v52 =	vmul.f32 v16, v25  }
0x65: {  	v11 =	vmul.f32 v33, v11;
	v37 =	vadd.f32 v53, v19;
	v53 =	vmul.f32 v17, v15  }
0x66: {  	v18 =	vadd.f32 v50, v18;
	v50 =	vmul.f32 v33, v31;
	v28 =	vsel vm14, v9, v12  }
0x67: {  	v30 =	vsel vm14, v8, v14;
	v9 =	vadd.f32 v56, v55;
	v8 =	vadd.f32 v58, v57  }
0x68: {  	v12 =	vadd.f32 v44, v43;
	v55 =	vmul.f32 v24, v16;
	v56 =	vmul.f32 v31, v16  }
0x69: {  	v38 =	vadd.f32 v52, v51;
	v57 =	vmul.f32 v35, v23;
	v58 =	vmul.f32 v34, v23  }
0x6a: {  	v43 =	vmul.f32 v33, v34;
	v44 =	vmul.f32 v35, v24;
	v7 =	vsel vm14, v7, v36  }
0x6b: {  	v9 =	vadd.f32 v59, v9;
	v13 =	vadd.f32 v8, v60;
	v59 =	vmul.f32 v26, v21  }
0x6c: {  	v38 =	vadd.f32 v38, v55;
	v60 =	vmul.f32 v22, v15;
	v55 =	vmul.f32 v17, v21  }
0x6d: {  	v12 =	vadd.f32 v48, v12;
	v26 =	vmul.f32 v33, v26;
	v15 =	vmul.f32 v32, v15  }
0x6e: {  	v8 =	vadd.f32 v61, v9;
	v9 =	vadd.f32 v13, v62;
	v61 =	vmul.f32 v10, v21  }
0x6f: {  	v13 =	vadd.f32 v45, v46;
	v62 =	vmul.f32 v25, v22;
	v45 =	vmul.f32 v24, v21  }
0x70: {  	v63 =	vadd.f32 v60, v59;
	v46 =	vmul.f32 v16, v22;
	v59 =	vmul.f32 v31, v24  }
0x71: {  	v48 =	vadd.f32 v29, v20;
	v60 =	vmul.f32 v32, v23;
	v10 =	vmul.f32 v33, v10  }
0x72: {  	v12 =	vadd.f32 v49, v12;
	v25 =	vmul.f32 v32, v25;
	v16 =	vmul.f32 v32, v16  }
0x73: {  	v14 =	vadd.f32 v13, v47;
	v13 =	vadd.f32 v54, v53;
	v47 =	vmul.f32 v24, v22  }
0x74: {  	v49 =	vadd.f32 v45, v63;
	v51 =	vadd.f32 v46, v18;
	v53 =	vmul.f32 v32, v31  }
0x75: {  	v29 =	vadd.f32 v46, v29;
	v54 =	vmul.f32 v24, v24;
	v63 =	vmul.f32 v35, v21  }
0x76: {  	v10 =	vadd.f32 v25, v10;
	v11 =	vadd.f32 v16, v11;
	v46 =	vmul.f32 v32, v34  }
0x77: {  	v16 =	vsel vm14, v27, v37;
	v19 =	vadd.f32 v13, v56;
	v13 =	vadd.f32 v38, v57  }
0x78: {  	v38 =	vadd.f32 v62, v61;
	v20 =	vadd.f32 v50, v49;
	v56 =	vmul.f32 v23, v22  }
0x79: {  	v39 =	vadd.f32 v29, v54;
	v29 =	vand.u32 $0x2F, v5;
	v57 =	vmul.f32 v33, v17  }
0x7a: {  	v61 =	vadd.f32 v15, v26;
	v62 =	vmul.f32 v35, v31;
	v15 =	vadd.f32 v60, v51  }
0x7b: {  	v31 =	vmul.f32 v34, v31;
	v22 =	vmul.f32 v35, v22;
	v11 =	vadd.f32 v11, v44  }
0x7c: {  	v50 =	vmul.f32 v30, v12;
	v54 =	vmul.f32 v28, v8;
	v19 =	vadd.f32 v19, v58  }
0x7d: {  	vm5 =	vgt.u32 v29, $0x2;
	v52 =	vadd.f32 v47, v38;
	v58 =	vadd.f32 v56, v55  }
0x7e: {  	v17 =	vadd.f32 v57, v48;
	v5 =	vadd.f32 v39, v62;
	v47 =	vmul.f32 v35, v34  }
0x7f: {  	v23 =	vadd.f32 v61, v63;
	v48 =	vmul.f32 v34, v34;
	v51 =	vmul.f32 v7, v20  }
0x80: {  	v45 =	vadd.f32 v60, v57;
	v55 =	vmul.f32 v30, v15;
	v56 =	vmul.f32 v28, v9  }
0x81: {  	v10 =	vadd.f32 v10, v22;
	v57 =	vmul.f32 v30, v13;
	v42 =	vmul.f32 v15, v8  }
0x82: {  	v32 =	vmul.f32 v9, v20;
	v18 =	vadd.f32 v53, v52;
	v38 =	vadd.f32 v58, v59  }
0x83: {  	v23 =	vadd.f32 v23, v43;
	v26 =	vadd.f32 v45, v62;
	v49 =	vmul.f32 v28, v17  }
0x84: {  	v22 =	vadd.f32 v10, v46;
	v58 =	vmul.f32 v28, v14;
	v59 =	vmul.f32 v30, v19  }
0x85: {  	v24 =	vadd.f32 v11, v47;
	v61 =	vmul.f32 v7, v5;
	v41 =	vmul.f32 v8, v17  }
0x86: {  	v53 =	vand.u32 $0x4, v3;
	v43 =	vmul.f32 v17, v17;
	v45 =	vmul.f32 v9, v17  }
0x87: {  	v11 =	vadd.f32 v57, v56;
	v46 =	vmul.f32 v13, v8;
	v47 =	vmul.f32 v14, v17  }
0x88: {  	v56 =	vmul.f32 v13, v20;
	v57 =	vmul.f32 v9, v12;
	v3 =	vand.u32 $0x8, v3  }
0x89: {  	vm4 =	veq.s32 v53, $0x0;
	v53 =	vmul.f32 v17, v12;
	vm6 =	veq.s32 v3, $0x0  }
0x8a: {  	v21 =	vadd.f32 v38, v31;
	v25 =	vadd.f32 v26, v48;
	v52 =	vmul.f32 v16, v23  }
0x8b: {  	v10 =	vadd.f32 v50, v49;
	v60 =	vmul.f32 v7, v18;
	v36 =	vmul.f32 v16, v22  }
0x8c: {  	v31 =	vadd.f32 v55, v54;
	v37 =	vmul.f32 v16, v24;
	v44 =	vmul.f32 v9, v18  }
0x8d: {  	v62 =	vadd.f32 v59, v58;
	v48 =	vmul.f32 v19, v8;
	v49 =	vmul.f32 v22, v14  }
0x8e: {  	v11 =	vadd.f32 v11, v61;
	v50 =	vmul.f32 v5, v9;
	v54 =	vmul.f32 v12, v15  }
0x8f: {  	v27 =	vadd.f32 v42, v41;
	v58 =	vmul.f32 v13, v15;
	v59 =	vmul.f32 v23, v19  }
0x90: {  	v33 =	vadd.f32 v46, v45;
	v61 =	vmul.f32 v5, v13;
	v45 =	vmul.f32 v17, v20  }
0x91: {  	v46 =	vmul.f32 v12, v18;
	v17 =	vmul.f32 v23, v17;
	v10 =	vadd.f32 v10, v51  }
0x92: {  	v63 =	vmul.f32 v7, v21;
	v31 =	vadd.f32 v31, v60;
	v38 =	vmul.f32 v16, v25  }
0x93: {  	v40 =	vadd.f32 v11, v37;
	v27 =	vadd.f32 v44, v27;
	v51 =	vmul.f32 v24, v14  }
0x94: {  	v33 =	vadd.f32 v33, v50;
	v55 =	vmul.f32 v25, v14;
	v34 =	vadd.f32 v54, v53  }
0x95: {  	v60 =	vmul.f32 v15, v15;
	v35 =	vadd.f32 v58, v57;
	v44 =	vmul.f32 v19, v15  }
0x96: {  	v37 =	vadd.f32 v46, v45;
	v50 =	vmul.f32 v15, v18;
	v53 =	vmul.f32 v5, v18  }
0x97: {  	v54 =	vmul.f32 v13, v18;
	v57 =	vmul.f32 v5, v5;
	v10 =	vadd.f32 v10, v52  }
0x98: {  	v15 =	vmul.f32 v22, v15;
	v26 =	vadd.f32 v62, v63;
	v39 =	vadd.f32 v31, v36  }
0x99: {  	v7 =	vsel vm4, v7, v40;
	v31 =	vmul.f32 v12, v8;
	v52 =	vmul.f32 v21, v9  }
0x9a: {  	v27 =	vadd.f32 v49, v27;
	v62 =	vmul.f32 v24, v19;
	v63 =	vmul.f32 v14, v12  }
0x9b: {  	v33 =	vadd.f32 v33, v51;
	v49 =	vmul.f32 v8, v20;
	v51 =	vmul.f32 v25, v19  }
0x9c: {  	v34 =	vadd.f32 v56, v34;
	v56 =	vmul.f32 v22, v21;
	v12 =	vmul.f32 v22, v12  }
0x9d: {  	v35 =	vadd.f32 v35, v61;
	v61 =	vmul.f32 v21, v5;
	v8 =	vmul.f32 v23, v8  }
0x9e: {  	v9 =	vmul.f32 v23, v9;
	v26 =	vadd.f32 v26, v38;
	v11 =	vsel vm4, v28, v10  }
0x9f: {  	v10 =	vsel vm4, v30, v39;
	v30 =	vadd.f32 v31, v43;
	v28 =	vadd.f32 v48, v47  }
0xa0: {  	v34 =	vadd.f32 v59, v34;
	v31 =	vadd.f32 v60, v31;
	v47 =	vmul.f32 v21, v13  }
0xa1: {  	v36 =	vadd.f32 v44, v63;
	v48 =	vmul.f32 v5, v20;
	v59 =	vmul.f32 v22, v19  }
0xa2: {  	v35 =	vadd.f32 v35, v62;
	v60 =	vmul.f32 v24, v21;
	v19 =	vmul.f32 v19, v18  }
0xa3: {  	v38 =	vadd.f32 v50, v49;
	v62 =	vmul.f32 v24, v20;
	v63 =	vmul.f32 v23, v25  }
0xa4: {  	v12 =	vadd.f32 v12, v17;
	v13 =	vmul.f32 v22, v13;
	v5 =	vmul.f32 v24, v5  }
0xa5: {  	v8 =	vadd.f32 v15, v8;
	v22 =	vmul.f32 v22, v25;
	v39 =	vmul.f32 v25, v25  }
0xa6: {  	v45 =	vmul.f32 v11, v27;
	v28 =	vadd.f32 v28, v52;
	v36 =	vadd.f32 v36, v47  }
0xa7: {  	v50 =	vmul.f32 v11, v33;
	v37 =	vadd.f32 v48, v37;
	v30 =	vadd.f32 v32, v30  }
0xa8: {  	v52 =	vmul.f32 v23, v21;
	v38 =	vadd.f32 v53, v38;
	v31 =	vadd.f32 v54, v31  }
0xa9: {  	v32 =	vadd.f32 v54, v32;
	v21 =	vmul.f32 v25, v21;
	v12 =	vadd.f32 v12, v62  }
0xaa: {  	v9 =	vadd.f32 v13, v9;
	v41 =	vmul.f32 v10, v34;
	v28 =	vadd.f32 v28, v55  }
0xab: {  	v36 =	vadd.f32 v36, v51;
	v37 =	vadd.f32 v52, v37;
	v55 =	vmul.f32 v23, v14  }
0xac: {  	v58 =	vadd.f32 v56, v38;
	v32 =	vadd.f32 v32, v57;
	v14 =	vmul.f32 v14, v20  }
0xad: {  	v16 =	vsel vm4, v16, v26;
	v31 =	vadd.f32 v59, v31;
	v12 =	vadd.f32 v12, v63  }
0xae: {  	v5 =	vadd.f32 v9, v5;
	v38 =	vmul.f32 v24, v25;
	v14 =	vadd.f32 v19, v14  }
0xaf: {  	v51 =	vmul.f32 v10, v35;
	v30 =	vadd.f32 v55, v30;
	v32 =	vadd.f32 v32, v60  }
0xb0: {  	v23 =	vadd.f32 v59, v55;
	v44 =	vmul.f32 v7, v37;
	v14 =	vadd.f32 v14, v61  }
0xb1: {  	v5 =	vadd.f32 v5, v38;
	v46 =	vmul.f32 v10, v31;
	v40 =	vmul.f32 v11, v30  }
0xb2: {  	v52 =	vmul.f32 v11, v28;
	v14 =	vadd.f32 v14, v21;
	v21 =	vmul.f32 v24, v18  }
0xb3: {  	v53 =	vmul.f32 v10, v36;
	v15 =	vadd.f32 v23, v60;
	v43 =	vadd.f32 v41, v40  }
0xb4: {  	v56 =	vor.u32 $0x1, v2;
	v48 =	vadd.f32 v46, v45;
	v8 =	vadd.f32 v8, v21  }
0xb5: {  	v12 =	vmul.f32 v16, v12;
	v55 =	vadd.f32 v53, v52;
	v47 =	vadd.f32 v43, v44  }
0xb6: {  	v49 =	vmul.f32 v7, v58;
	v42 =	vadd.f32 v15, v39;
	v8 =	vadd.f32 v8, v22  }
0xb7: {  	v54 =	vmul.f32 v7, v32;
	v3 =	vadd.f32 v47, v12;
	v12 =	vadd.f32 v51, v50  }
0xb8: {  	v13 =	vadd.f32 v48, v49;
	v14 =	vmul.f32 v7, v14;
	v8 =	vmul.f32 v16, v8  }
0xb9: {  	v57 =	vor.u32 $0x2, v2;
	v5 =	vmul.f32 v16, v5;
	v12 =	vadd.f32 v12, v54  }
0xba: {  	v9 =	vmul.f32 v16, v42;
	v8 =	vadd.f32 v13, v8;
	v13 =	vadd.f32 v55, v14  }
0xbb: {  	v58 =	vor.u32 $0x3, v2;
	v3 =	vsel vm6, v11, v3;
	v5 =	vadd.f32 v12, v5  }
0xbc: {  	s29 =	simm.s32 $0x800;
	v3 =	vnsel vm5, $0x0, v3;
	v9 =	vadd.f32 v13, v9;
	v8 =	vsel vm6, v10, v8  }
0xbd: {  	v1 =	vadd.s32 s7, v1;
	[tilespmem:v2+s29+$0x0] =	vst.idx.msk $0xffff, v3;
	v5 =	vsel vm6, v7, v5;
	v59 =	vnsel vm5, $0x0, v8  }
0xbe: {  	vm7 =	vgt.s32 v1, $0x0;
	v61 =	vnsel vm5, $0x0, v5;
	v60 =	vsel vm6, v16, v9;
	[tilespmem:v56+s29+$0x0] =	vst.idx.msk $0xffff, v59  }
0xbf: {  	v1 =	vnsel vm7, $0x0, v1;
	[tilespmem:v57+s29+$0x0] =	vst.idx.msk $0xffff, v61;
	v62 =	vnsel vm5, $0x0, v60  }
0xc0: {  	[tilespmem:v58+s29+$0x0] =	vst.idx.msk $0xffff, v62  }
0xc1: {  	v3 =	vld.idx.msk [tilespmem:v6+s24+$0x0], $0xffff  }
0xc2: {  	v4 =	vld.idx.msk [tilespmem:v4+s24+$0x0], $0xffff;
	_ =	sdelay $0x1  }
0xc3: {  	v63 =	vld.idx.msk [tilespmem:v1+s24+$0x0], $0xffff;
	_ =	sdelay $0x2  }
0xc4: {  	v24 =	vshll.u32 v3, $0x4;
	v25 =	vshll.u32 v4, $0x2  }
0xc5: {  	v1 =	vadd.s32 v24, v25  }
0xc6: {  	v1 =	vadd.s32 v63, v1  }
0xc7: {  	v28 =	vshll.u32 v1, $0x4  }
0xc8: {  	v29 =	vor.u32 $0x1, v28  }
0xc9: {  	v30 =	vor.u32 $0x2, v28  }
0xca: {  	v31 =	vor.u32 $0x3, v28  }
0xcb: {  	v32 =	vor.u32 $0x4, v28  }
0xcc: {  	v33 =	vor.u32 $0x5, v28;
	v10 =	vld.idx.msk [tilespmem:v28+s2+$0x0], $0xffff  }
0xcd: {  	v35 =	vor.u32 $0x8, v28;
	v9 =	vld.idx.msk [tilespmem:v29+s2+$0x0], $0xffff  }
0xce: {  	v39 =	vor.u32 $0xC, v28;
	v5 =	vld.idx.msk [tilespmem:v30+s2+$0x0], $0xffff  }
0xcf: {  	v34 =	vor.u32 $0x6, v28;
	v14 =	vld.idx.msk [tilespmem:v31+s2+$0x0], $0xffff  }
0xd0: {  	v40 =	vor.u32 $0x9, v28;
	v15 =	vld.idx.msk [tilespmem:v32+s2+$0x0], $0xffff  }
0xd1: {  	v45 =	vor.u32 $0xD, v28;
	v11 =	vld.idx.msk [tilespmem:v33+s2+$0x0], $0xffff  }
0xd2: {  	v42 =	vor.u32 $0xA, v28;
	v23 =	vld.idx.msk [tilespmem:v35+s2+$0x0], $0xffff  }
0xd3: {  	v41 =	vor.u32 $0x7, v28;
	v25 =	vld.idx.msk [tilespmem:v39+s2+$0x0], $0xffff  }
0xd4: {  	v26 =	vmov s7;
	v46 =	vor.u32 $0xE, v28;
	v22 =	vld.idx.msk [tilespmem:v34+s2+$0x0], $0xffff  }
0xd5: {  	v27 =	vand.u32 $0x1C0, v26;
	v36 =	vshll.u32 v63, $0x2;
	v44 =	vor.u32 $0xB, v28;
	v26 =	vld.idx.msk [tilespmem:v40+s2+$0x0], $0xffff  }
0xd6: {  	vm8 =	veq.s32 v63, $0x0;
	v37 =	vadd.s32 v36, v28;
	v47 =	vor.u32 $0xF, v28;
	v28 =	vld.idx.msk [tilespmem:v45+s2+$0x0], $0xffff  }
0xd7: {  	v3 =	vadd.s32 v27, v1;
	v27 =	vld.idx.msk [tilespmem:v42+s2+$0x0], $0xffff;
	v50 =	vmul.f32 v10, v10;
	v51 =	vmul.f32 v15, v9  }
0xd8: {  	vm10 =	veq.s32 v63, $0x1;
	v29 =	vld.idx.msk [tilespmem:v41+s2+$0x0], $0xffff;
	v20 =	vmul.f32 v23, v5;
	v31 =	vmul.f32 v25, v14  }
0xd9: {  	vm11 =	veq.s32 v63, $0x2;
	v32 =	vld.idx.msk [tilespmem:v46+s2+$0x0], $0xffff;
	v55 =	vmul.f32 v9, v10;
	v56 =	vmul.f32 v11, v9  }
0xda: {  	v38 =	vor.u32 $0x1, v37;
	v34 =	vld.idx.msk [tilespmem:v44+s2+$0x0], $0xffff;
	v57 =	vmul.f32 v26, v5;
	v58 =	vmul.f32 v5, v10  }
0xdb: {  	v13 =	vor.u32 $0x2, v37;
	v35 =	vld.idx.msk [tilespmem:v47+s2+$0x0], $0xffff;
	v59 =	vmul.f32 v22, v9;
	v60 =	vmul.f32 v28, v14  }
0xdc: {  	vm12 =	veq.s32 v63, $0x3;
	v61 =	vmul.f32 v27, v5;
	v62 =	vmul.f32 v14, v10  }
0xdd: {  	v49 =	vsel vm8, $0x3F800000, v0;
	v1 =	vld.idx.msk [tilespmem:v3+s23+$0x0], $0xffff;
	v63 =	vmul.f32 v29, v9;
	v24 =	vmul.f32 v15, v10  }
0xde: {  	v43 =	vld.idx.msk [tilespmem:v37+s2+$0x0], $0xffff;
	v33 =	vor.u32 $0x3, v37;
	v36 =	vmul.f32 v11, v15;
	v37 =	vmul.f32 v32, v14  }
0xdf: {  	v52 =	vsel vm10, $0x3F800000, v0;
	v3 =	vld.idx.msk [tilespmem:v38+s2+$0x0], $0xffff;
	v38 =	vmul.f32 v34, v5;
	v39 =	vmul.f32 v23, v22  }
0xe0: {  	v53 =	vsel vm11, $0x3F800000, v0;
	v13 =	vld.idx.msk [tilespmem:v13+s2+$0x0], $0xffff;
	v40 =	vmul.f32 v11, v11;
	v41 =	vmul.f32 v35, v14  }
0xe1: {  	v30 =	vsel vm12, $0x3F800000, v0;
	v42 =	vmul.f32 v25, v29;
	v44 =	vmul.f32 v26, v22  }
0xe2: {  	v48 =	vand.u32 $0x1, v1;
	v45 =	vmul.f32 v15, v5;
	v46 =	vmul.f32 v22, v11  }
0xe3: {  	vm9 =	veq.s32 v48, $0x0;
	v48 =	vmul.f32 v27, v22;
	v5 =	vmul.f32 v25, v5  }
0xe4: {  	v4 =	vsel vm9, v49, v43;
	v6 =	vsel vm9, v52, v3;
	v49 =	vmul.f32 v32, v29  }
0xe5: {  	v3 =	vsel vm9, v53, v13;
	v52 =	vmul.f32 v23, v10;
	v53 =	vmul.f32 v26, v15  }
0xe6: {  	v10 =	vmul.f32 v25, v10;
	v7 =	vadd.f32 v51, v50;
	v16 =	vadd.f32 v59, v58  }
0xe7: {  	v17 =	vadd.f32 v63, v62;
	v13 =	vadd.f32 v36, v24;
	v36 =	vmul.f32 v28, v29  }
0xe8: {  	v43 =	vadd.f32 v40, v51;
	v50 =	vmul.f32 v15, v14;
	v51 =	vmul.f32 v29, v11  }
0xe9: {  	v59 =	vmul.f32 v35, v29;
	v62 =	vmul.f32 v25, v34;
	v24 =	vadd.f32 v44, v20  }
0xea: {  	v63 =	vmul.f32 v27, v27;
	v14 =	vmul.f32 v23, v14;
	v18 =	vadd.f32 v53, v52  }
0xeb: {  	v29 =	vmul.f32 v26, v29;
	v54 =	vadd.f32 v20, v7;
	v7 =	vadd.f32 v56, v55  }
0xec: {  	v15 =	vmul.f32 v28, v15;
	v16 =	vadd.f32 v61, v16;
	v17 =	vadd.f32 v38, v17  }
0xed: {  	v53 =	vmul.f32 v32, v26;
	v13 =	vadd.f32 v39, v13;
	v47 =	vadd.f32 v44, v43  }
0xee: {  	v21 =	vadd.f32 v51, v50;
	v55 =	vmul.f32 v27, v23;
	v56 =	vmul.f32 v23, v9  }
0xef: {  	v61 =	vmul.f32 v27, v26;
	v24 =	vadd.f32 v63, v24;
	v14 =	vadd.f32 v29, v14  }
0xf0: {  	v10 =	vadd.f32 v15, v10;
	v50 =	vmul.f32 v35, v25;
	v9 =	vmul.f32 v25, v9  }
0xf1: {  	v51 =	vmul.f32 v28, v22;
	v63 =	vand.u32 $0x2, v1;
	v0 =	vadd.f32 v31, v54  }
0xf2: {  	vm13 =	veq.s32 v63, $0x0;
	v7 =	vadd.f32 v57, v7;
	v12 =	vadd.f32 v42, v13  }
0xf3: {  	v13 =	vadd.f32 v36, v47;
	v54 =	vmul.f32 v34, v22;
	v57 =	vmul.f32 v26, v11  }
0xf4: {  	v18 =	vadd.f32 v55, v18;
	v47 =	vmul.f32 v34, v27;
	v5 =	vadd.f32 v51, v5  }
0xf5: {  	v11 =	vmul.f32 v28, v11;
	v8 =	vadd.f32 v60, v7;
	v7 =	vadd.f32 v37, v16  }
0xf6: {  	v55 =	vmul.f32 v35, v28;
	v16 =	vadd.f32 v41, v17;
	v17 =	vadd.f32 v46, v45  }
0xf7: {  	v58 =	vadd.f32 v54, v21;
	v60 =	vadd.f32 v57, v56;
	v45 =	vmul.f32 v28, v34  }
0xf8: {  	v21 =	vadd.f32 v62, v18;
	v46 =	vmul.f32 v32, v34;
	v14 =	vadd.f32 v47, v14  }
0xf9: {  	v9 =	vadd.f32 v11, v9;
	v54 =	vmul.f32 v32, v27;
	v56 =	vadd.f32 v36, v31  }
0xfa: {  	v57 =	vmul.f32 v35, v32;
	v31 =	vmul.f32 v6, v13;
	v17 =	vadd.f32 v48, v17  }
0xfb: {  	v42 =	vmul.f32 v0, v0;
	v20 =	vadd.f32 v59, v58;
	v44 =	vadd.f32 v61, v60  }
0xfc: {  	v52 =	vld.idx.msk [tilespmem:v33+s2+$0x0], $0xffff;
	v19 =	vadd.f32 v46, v24;
	v48 =	vmul.f32 v35, v34;
	v58 =	vmul.f32 v35, v35  }
0xfd: {  	v9 =	vadd.f32 v53, v9;
	v59 =	vmul.f32 v4, v0;
	v60 =	vmul.f32 v6, v12  }
0xfe: {  	v5 =	vadd.f32 v54, v5;
	v62 =	vmul.f32 v3, v21;
	v34 =	vmul.f32 v4, v7  }
0xff: {  	v36 =	vmul.f32 v16, v4;
	v43 =	vmul.f32 v8, v12;
	v17 =	vadd.f32 v49, v17  }
0x100: {  	v18 =	vadd.f32 v45, v44;
	v49 =	vmul.f32 v32, v23;
	v29 =	vadd.f32 v48, v14  }
0x101: {  	v23 =	vsel vm9, v30, v52;
	v30 =	vmul.f32 v4, v8;
	v37 =	vmul.f32 v6, v20  }
0x102: {  	v14 =	vadd.f32 v46, v56;
	v38 =	vmul.f32 v3, v19;
	v45 =	vmul.f32 v8, v0  }
0x103: {  	v28 =	vadd.f32 v55, v9;
	v46 =	vmul.f32 v13, v8;
	v48 =	vmul.f32 v7, v0  }
0x104: {  	v27 =	vadd.f32 v57, v5;
	v51 =	vmul.f32 v20, v8;
	v53 =	vmul.f32 v19, v7  }
0x105: {  	v61 =	vadd.f32 v60, v59;
	v56 =	vmul.f32 v0, v12;
	v57 =	vmul.f32 v13, v12  }
0x106: {  	v44 =	vadd.f32 v43, v42;
	v33 =	vmul.f32 v3, v18;
	v35 =	vmul.f32 v6, v17  }
0x107: {  	v10 =	vadd.f32 v49, v10;
	v39 =	vmul.f32 v23, v28;
	v40 =	vmul.f32 v3, v29  }
0x108: {  	v26 =	vadd.f32 v58, v14;
	v41 =	vmul.f32 v23, v27;
	v47 =	vmul.f32 v7, v18  }
0x109: {  	v5 =	vadd.f32 v62, v61;
	v49 =	vmul.f32 v17, v8;
	v54 =	vmul.f32 v28, v16  }
0x10a: {  	v11 =	vadd.f32 v31, v30;
	v55 =	vmul.f32 v29, v7;
	v58 =	vmul.f32 v27, v16  }
0x10b: {  	v9 =	vadd.f32 v37, v36;
	v60 =	vmul.f32 v17, v21;
	v61 =	vmul.f32 v13, v13  }
0x10c: {  	v63 =	vmul.f32 v17, v18;
	v24 =	vadd.f32 v50, v10;
	v11 =	vadd.f32 v33, v11  }
0x10d: {  	v14 =	vadd.f32 v35, v34;
	v30 =	vmul.f32 v23, v26;
	v33 =	vmul.f32 v7, v21  }
0x10e: {  	v9 =	vadd.f32 v40, v9;
	v50 =	vmul.f32 v16, v0;
	v59 =	vmul.f32 v26, v16  }
0x10f: {  	v52 =	vadd.f32 v49, v48;
	v48 =	vmul.f32 v20, v13;
	v49 =	vmul.f32 v19, v17  }
0x110: {  	v32 =	vmul.f32 v23, v24;
	v14 =	vadd.f32 v38, v14;
	v22 =	vadd.f32 v39, v11  }
0x111: {  	v30 =	vadd.f32 v30, v9;
	v9 =	vadd.f32 v33, v44;
	v34 =	vmul.f32 v24, v16  }
0x112: {  	v10 =	vadd.f32 v52, v53;
	v62 =	vmul.f32 v24, v20;
	v38 =	vmul.f32 v28, v20  }
0x113: {  	v11 =	vadd.f32 v57, v56;
	v39 =	vmul.f32 v0, v21;
	v52 =	vmul.f32 v27, v20  }
0x114: {  	v53 =	vmul.f32 v26, v20;
	v56 =	vmul.f32 v13, v18;
	v33 =	vadd.f32 v63, v33  }
0x115: {  	v0 =	vmul.f32 v24, v0;
	v5 =	vadd.f32 v32, v5;
	v32 =	vadd.f32 v41, v14  }
0x116: {  	v11 =	vadd.f32 v60, v11;
	v42 =	vsel vm13, v6, v22;
	v60 =	vmul.f32 v28, v29  }
0x117: {  	v23 =	vsel vm13, v23, v30;
	v25 =	vsel vm13, v4, v5;
	v5 =	vadd.f32 v46, v45  }
0x118: {  	v4 =	vadd.f32 v34, v9;
	v45 =	vmul.f32 v7, v12;
	v46 =	vmul.f32 v17, v13  }
0x119: {  	v9 =	vadd.f32 v51, v50;
	v50 =	vmul.f32 v29, v17;
	v51 =	vmul.f32 v18, v12  }
0x11a: {  	v11 =	vadd.f32 v62, v11;
	v62 =	vmul.f32 v16, v21;
	v13 =	vmul.f32 v28, v13  }
0x11b: {  	v7 =	vmul.f32 v24, v7;
	v17 =	vmul.f32 v28, v17;
	v5 =	vadd.f32 v47, v5  }
0x11c: {  	v15 =	vadd.f32 v9, v55;
	v47 =	vmul.f32 v16, v12;
	v31 =	vadd.f32 v46, v45  }
0x11d: {  	v39 =	vadd.f32 v51, v39;
	v55 =	vmul.f32 v8, v21;
	v45 =	vmul.f32 v29, v19  }
0x11e: {  	v12 =	vmul.f32 v28, v12;
	v7 =	vadd.f32 v17, v7;
	v9 =	vadd.f32 v54, v5  }
0x11f: {  	v46 =	vmul.f32 v24, v8;
	v5 =	vadd.f32 v10, v58;
	v10 =	vadd.f32 v15, v59  }
0x120: {  	v15 =	vadd.f32 v61, v43;
	v54 =	vmul.f32 v19, v21;
	v58 =	vmul.f32 v24, v29  }
0x121: {  	v14 =	vadd.f32 v48, v47;
	v59 =	vmul.f32 v19, v18;
	v61 =	vmul.f32 v19, v19  }
0x122: {  	v31 =	vadd.f32 v31, v49;
	v43 =	vmul.f32 v27, v29;
	v29 =	vmul.f32 v26, v29  }
0x123: {  	v21 =	vmul.f32 v27, v21;
	v0 =	vadd.f32 v12, v0;
	v47 =	vmul.f32 v24, v26  }
0x124: {  	v13 =	vadd.f32 v13, v46;
	v48 =	vmul.f32 v27, v19;
	v15 =	vadd.f32 v63, v15  }
0x125: {  	v49 =	vsel vm13, v3, v32;
	v37 =	vadd.f32 v14, v50;
	v14 =	vadd.f32 v31, v52  }
0x126: {  	v57 =	vadd.f32 v54, v39;
	v31 =	vadd.f32 v56, v55;
	v63 =	vmul.f32 v20, v18  }
0x127: {  	v41 =	vadd.f32 v33, v61;
	v0 =	vadd.f32 v0, v21;
	v18 =	vmul.f32 v27, v18  }
0x128: {  	v50 =	vadd.f32 v38, v34;
	v52 =	vmul.f32 v28, v26;
	v54 =	vmul.f32 v26, v26  }
0x129: {  	v7 =	vadd.f32 v7, v48;
	v55 =	vmul.f32 v25, v4;
	v56 =	vmul.f32 v42, v11  }
0x12a: {  	v61 =	vmul.f32 v25, v9;
	v15 =	vadd.f32 v38, v15;
	v22 =	vadd.f32 v37, v53  }
0x12b: {  	v33 =	vmul.f32 v25, v10;
	v31 =	vadd.f32 v59, v31;
	v16 =	vadd.f32 v58, v57  }
0x12c: {  	v46 =	vmul.f32 v11, v9;
	v44 =	vadd.f32 v63, v62;
	v6 =	vadd.f32 v41, v43  }
0x12d: {  	v12 =	vadd.f32 v0, v47;
	v51 =	vadd.f32 v13, v18;
	v53 =	vmul.f32 v27, v26  }
0x12e: {  	v0 =	vadd.f32 v50, v43;
	v57 =	vadd.f32 v56, v55;
	v63 =	vmul.f32 v25, v5  }
0x12f: {  	v32 =	vmul.f32 v42, v14;
	v47 =	vmul.f32 v9, v4;
	v20 =	vadd.f32 v60, v31  }
0x130: {  	v31 =	vadd.f32 v44, v45;
	v58 =	vmul.f32 v49, v16;
	v59 =	vmul.f32 v23, v12  }
0x131: {  	v18 =	vadd.f32 v51, v52;
	v62 =	vmul.f32 v42, v15;
	v34 =	vmul.f32 v42, v22  }
0x132: {  	v17 =	vadd.f32 v7, v53;
	v36 =	vmul.f32 v49, v6;
	v45 =	vmul.f32 v4, v4  }
0x133: {  	v13 =	vadd.f32 v0, v54;
	v48 =	vmul.f32 v15, v9;
	v27 =	vmul.f32 v5, v16  }
0x134: {  	v60 =	vand.u32 $0x4, v1;
	v28 =	vmul.f32 v12, v10;
	v51 =	vmul.f32 v5, v4  }
0x135: {  	v3 =	vadd.f32 v32, v63;
	v52 =	vmul.f32 v14, v9;
	v53 =	vmul.f32 v10, v4  }
0x136: {  	v54 =	vmul.f32 v22, v9;
	v55 =	vmul.f32 v6, v5;
	v1 =	vand.u32 $0x8, v1  }
0x137: {  	vm14 =	veq.s32 v60, $0x0;
	v60 =	vmul.f32 v15, v15;
	vm15 =	veq.s32 v1, $0x0  }
0x138: {  	v8 =	vadd.f32 v31, v29;
	v35 =	vmul.f32 v49, v20;
	v39 =	vmul.f32 v23, v18  }
0x139: {  	v0 =	vadd.f32 v57, v58;
	v40 =	vmul.f32 v23, v17;
	v41 =	vmul.f32 v23, v13  }
0x13a: {  	v24 =	vadd.f32 v62, v61;
	v50 =	vmul.f32 v18, v10;
	v57 =	vmul.f32 v4, v11  }
0x13b: {  	v37 =	vadd.f32 v34, v33;
	v58 =	vmul.f32 v11, v15;
	v61 =	vmul.f32 v13, v10  }
0x13c: {  	v3 =	vadd.f32 v3, v36;
	v62 =	vmul.f32 v14, v16;
	v63 =	vmul.f32 v14, v20  }
0x13d: {  	v21 =	vadd.f32 v46, v45;
	v33 =	vmul.f32 v18, v22;
	v45 =	vmul.f32 v6, v14  }
0x13e: {  	v19 =	vadd.f32 v48, v47;
	v47 =	vmul.f32 v22, v15;
	v48 =	vmul.f32 v17, v22  }
0x13f: {  	v30 =	vadd.f32 v52, v51;
	v51 =	vmul.f32 v9, v16;
	v52 =	vmul.f32 v15, v20  }
0x140: {  	v9 =	vmul.f32 v12, v9;
	v0 =	vadd.f32 v0, v59;
	v24 =	vadd.f32 v24, v35  }
0x141: {  	v38 =	vmul.f32 v49, v8;
	v44 =	vadd.f32 v3, v40;
	v21 =	vadd.f32 v27, v21  }
0x142: {  	v56 =	vmul.f32 v8, v5;
	v30 =	vadd.f32 v30, v55;
	v59 =	vmul.f32 v17, v10  }
0x143: {  	v31 =	vadd.f32 v58, v57;
	v35 =	vadd.f32 v52, v51;
	v55 =	vmul.f32 v6, v20  }
0x144: {  	v57 =	vmul.f32 v12, v8;
	v27 =	vadd.f32 v63, v27;
	v7 =	vadd.f32 v37, v38  }
0x145: {  	v58 =	vmul.f32 v18, v8;
	v43 =	vadd.f32 v24, v39;
	v21 =	vadd.f32 v28, v21  }
0x146: {  	v3 =	vsel vm14, v25, v0;
	v24 =	vadd.f32 v54, v53;
	v30 =	vadd.f32 v30, v59  }
0x147: {  	v25 =	vadd.f32 v60, v46;
	v46 =	vmul.f32 v10, v11;
	v39 =	vmul.f32 v11, v20  }
0x148: {  	v31 =	vadd.f32 v62, v31;
	v53 =	vmul.f32 v6, v16;
	v54 =	vmul.f32 v13, v22  }
0x149: {  	v35 =	vadd.f32 v55, v35;
	v59 =	vmul.f32 v6, v6;
	v10 =	vmul.f32 v10, v16  }
0x14a: {  	v60 =	vmul.f32 v17, v8;
	v38 =	vmul.f32 v18, v13;
	v26 =	vadd.f32 v7, v41  }
0x14b: {  	v0 =	vsel vm14, v42, v43;
	v7 =	vsel vm14, v49, v44;
	v49 =	vmul.f32 v5, v20  }
0x14c: {  	v24 =	vadd.f32 v24, v56;
	v42 =	vmul.f32 v12, v22;
	v25 =	vadd.f32 v63, v25  }
0x14d: {  	v43 =	vmul.f32 v5, v11;
	v44 =	vmul.f32 v14, v15;
	v36 =	vadd.f32 v47, v46  }
0x14e: {  	v35 =	vadd.f32 v58, v35;
	v22 =	vmul.f32 v22, v20;
	v11 =	vmul.f32 v18, v11  }
0x14f: {  	v27 =	vadd.f32 v27, v59;
	v15 =	vmul.f32 v18, v15;
	v63 =	vmul.f32 v17, v16  }
0x150: {  	v5 =	vmul.f32 v12, v5;
	v41 =	vmul.f32 v17, v13;
	v19 =	vadd.f32 v49, v19  }
0x151: {  	v52 =	vmul.f32 v3, v30;
	v24 =	vadd.f32 v24, v61;
	v31 =	vadd.f32 v42, v31  }
0x152: {  	v58 =	vor.u32 $0x41, v2;
	v25 =	vadd.f32 v33, v25;
	v32 =	vadd.f32 v44, v43  }
0x153: {  	v49 =	vmul.f32 v8, v14;
	v61 =	vmul.f32 v8, v6;
	v10 =	vadd.f32 v22, v10  }
0x154: {  	v62 =	vadd.f32 v27, v60;
	v8 =	vmul.f32 v13, v8;
	v9 =	vadd.f32 v15, v9  }
0x155: {  	v27 =	vmul.f32 v17, v20;
	v40 =	vsel vm14, v23, v26;
	v6 =	vmul.f32 v17, v6  }
0x156: {  	v42 =	vadd.f32 v33, v28;
	v43 =	vmul.f32 v13, v13;
	v19 =	vadd.f32 v50, v19  }
0x157: {  	v50 =	vmul.f32 v4, v16;
	v32 =	vadd.f32 v32, v45;
	v36 =	vadd.f32 v36, v49  }
0x158: {  	v4 =	vmul.f32 v12, v4;
	v10 =	vadd.f32 v10, v61;
	v9 =	vadd.f32 v9, v27  }
0x159: {  	v44 =	vmul.f32 v3, v21;
	v37 =	vadd.f32 v39, v50;
	v32 =	vadd.f32 v32, v48  }
0x15a: {  	v45 =	vmul.f32 v0, v31;
	v36 =	vadd.f32 v36, v54;
	v4 =	vadd.f32 v11, v4  }
0x15b: {  	v47 =	vmul.f32 v0, v25;
	v8 =	vadd.f32 v10, v8;
	v9 =	vadd.f32 v9, v38  }
0x15c: {  	v39 =	vmul.f32 v18, v14;
	v11 =	vadd.f32 v42, v60;
	v56 =	vadd.f32 v53, v37  }
0x15d: {  	v46 =	vmul.f32 v3, v19;
	v4 =	vadd.f32 v4, v63;
	v37 =	vmul.f32 v12, v13  }
0x15e: {  	v50 =	vmul.f32 v7, v35;
	v5 =	vadd.f32 v39, v5;
	v34 =	vadd.f32 v57, v56  }
0x15f: {  	v54 =	vmul.f32 v3, v24;
	v11 =	vadd.f32 v11, v43;
	v4 =	vadd.f32 v4, v37  }
0x160: {  	v5 =	vadd.f32 v5, v6;
	v6 =	vadd.f32 v45, v44;
	v48 =	vmul.f32 v7, v34  }
0x161: {  	v49 =	vadd.f32 v47, v46;
	v9 =	vmul.f32 v40, v9;
	v53 =	vmul.f32 v0, v32  }
0x162: {  	v55 =	vmul.f32 v0, v36;
	v4 =	vmul.f32 v40, v4;
	v6 =	vadd.f32 v6, v48  }
0x163: {  	v51 =	vadd.f32 v49, v50;
	v56 =	vmul.f32 v7, v62;
	v5 =	vadd.f32 v5, v41  }
0x164: {  	v57 =	vor.u32 $0x40, v2;
	v4 =	vadd.f32 v6, v4;
	v6 =	vadd.f32 v53, v52  }
0x165: {  	v8 =	vmul.f32 v7, v8;
	v1 =	vadd.f32 v51, v9;
	v9 =	vadd.f32 v55, v54  }
0x166: {  	v59 =	vor.u32 $0x42, v2;
	v5 =	vmul.f32 v40, v5;
	v6 =	vadd.f32 v6, v56  }
0x167: {  	v60 =	vmul.f32 v40, v11;
	v2 =	vor.u32 $0x43, v2;
	v8 =	vadd.f32 v9, v8  }
0x168: {  	v3 =	vsel vm15, v3, v4;
	v5 =	vadd.f32 v6, v5  }
0x169: {  	v0 =	vsel vm15, v0, v1;
	v61 =	vadd.f32 v8, v60;
	[tilespmem:v57+s29+$0x0] =	vst.idx.msk $0xffff, v3  }
0x16a: {  	[tilespmem:v58+s29+$0x0] =	vst.idx.msk $0xffff, v0;
	v62 =	vsel vm15, v7, v5  }
0x16b: {  	s30 =	sshll.u32 s25, $0x4;
	v63 =	vsel vm15, v40, v61;
	[tilespmem:v59+s29+$0x0] =	vst.idx.msk $0xffff, v62  }
0x16c: {  	s31 =	simm.s32 $0x4;
	s1 =	sadd.s32 s1, s30;
	[tilespmem:v2+s29+$0x0] =	vst.idx.msk $0xffff, v63  }
0x16d: {  	[hbm4b:s1+s2] =	stream.linear.scatter [tilespmem:s29], [sflag:$0x4], $0x80, $0x38;
	[tilespmem:$0x880] =	vst v63  }
0x16e: {  	_ =	swait.ge [sflag:s31], $0x80  }
0x16f: {  	[sflag:s31] =	ssyncset.done $0x0  }
0x170: {  	[sflag:s31] =	ssyncadd.s32 $0xFFFFFF80  }
0x171: {  	_ =	sfence.sel $0x180000  }
0x172: {  	[bflag:$0x0] =	sbarrier.arrive $0xFFFF  }
0x173: {  	p0 =	sne.s32 s25, $0x0;
	_ =	strace $0x90000047  }
0x174: {  	s0 =	sadd.s32 @!p0 $0x100000, s0;
	[bflag:$0x2] =	sbarrier.arrive $0xFFFF  }
0x175: {  	[sflag:s0] =	ssyncadd.tile.s32 @!p0 $0x1;
	_ =	shalt  }
.Lfunc_end2:
_tile_overlayer_lowered:
.L_overlay_start_2:
0x176: {  	(tag) =	ssettag $0x2  }
0x177: {  	s0 =	rddreg [dreg:$0x0];
	s2 =	stileid.u32  }
0x178: {  	s1 =	rddreg [dreg:$0x1];
	p0 =	sne.s32 s2, $0x0  }
0x179: {  	s3 =	rddreg [dreg:$0x2];
	[bflag:$0x3] =	sbarrier.arrive $0xFFFF;
	s2 =	simm.s32 @!p0 $0x1C04  }
0x17a: {  	[timem:s3], [sflag:s2] =	dma.local @!p0 [hbm:s0], s1  }
0x17b: {  	s0 =	simm.s32 @!p0 $0x4  }
0x17c: {  	_ =	swait.ge @!p0 [sflag:s0], s1  }
0x17d: {  	s1 =	ssub.s32 @!p0 $0x0, s1;
	[sflag:s0] =	ssyncset.done @!p0 $0x0  }
0x17e: {  	[sflag:s0] =	ssyncadd.s32 @!p0 s1  }
0x17f: {  	[bflag:$0x3] =	sbarrier.arrive $0xFFFF  }
0x180: {  	_ =	shalt  }

</sc_bundles>
